<compile_context>
chip_gen: v7x
topology: tpu7x:2x2x1
jax: 0.10.2.dev20260603
libtpu: 0.0.44.dev20260713+nightly
codegen_flags: <defaults>
</compile_context>

<pallas_src>
import functools

import jax
import jax.numpy as jnp
from jax import lax
from jax.experimental import pallas as pl
from jax.experimental.pallas import tpu as pltpu
from jax.experimental.pallas import tpu_sc as plsc

BATCH = 4096
SEQ = 200
DIM = 64
VOCAB_ROWS = 1000000

NC = 2
NS = 16
NW = NC * NS
ROWS_PER_W = BATCH // NW
G = 2
NG = ROWS_PER_W // G
GIDX = G * SEQ
IDX_PER_W = ROWS_PER_W * SEQ
INV_SEQ = 1.0 / SEQ


def _build_kernel():
    mesh = plsc.VectorSubcoreMesh(core_axis_name="c", subcore_axis_name="s")

    @functools.partial(
        pl.kernel,
        out_type=jax.ShapeDtypeStruct((BATCH, DIM), jnp.float32),
        mesh=mesh,
        compiler_params=pltpu.CompilerParams(
            use_tc_tiling_on_sc=False, needs_layout_passes=False
        ),
        scratch_types=[
            pltpu.VMEM((IDX_PER_W,), jnp.int32),
            pltpu.VMEM((2, GIDX, DIM), jnp.float32),
            pltpu.VMEM((ROWS_PER_W, DIM), jnp.float32),
            pltpu.SemaphoreType.DMA,
            pltpu.SemaphoreType.DMA,
        ],
    )
    def enc(ids_hbm, table_hbm, out_hbm, idx_v, rows_v, out_v, sem0, sem1):
        sems = (sem0, sem1)
        wid = lax.axis_index("s") * NC + lax.axis_index("c")

        pltpu.sync_copy(ids_hbm.at[pl.ds(wid * IDX_PER_W, IDX_PER_W)], idx_v)

        def fire(gg, b):
            base = gg * GIDX
            for r in range(G):
                for off, n in ((0, 128), (128, SEQ - 128)):
                    pltpu.async_copy(
                        table_hbm.at[idx_v.at[pl.ds(base + r * SEQ + off, n)]],
                        rows_v.at[b, pl.ds(r * SEQ + off, n)],
                        sems[b],
                    )

        def drain(b):
            pltpu.make_async_copy(
                table_hbm.at[pl.ds(0, GIDX)], rows_v.at[b], sems[b]
            ).wait()

        def accum(gg, b):
            for r in range(G):
                rbase = r * SEQ

                def body(j, accs, _rbase=rbase):
                    a0, a1, a2, a3 = accs
                    row = _rbase + j * 8
                    for u in range(8):
                        a0 = a0 + rows_v[b, row + u, pl.ds(0, 16)]
                        a1 = a1 + rows_v[b, row + u, pl.ds(16, 16)]
                        a2 = a2 + rows_v[b, row + u, pl.ds(32, 16)]
                        a3 = a3 + rows_v[b, row + u, pl.ds(48, 16)]
                    return a0, a1, a2, a3

                z = jnp.zeros((16,), jnp.float32)
                a0, a1, a2, a3 = lax.fori_loop(0, SEQ // 8, body, (z, z, z, z))
                orow = gg * G + r
                out_v[orow, pl.ds(0, 16)] = a0 * INV_SEQ
                out_v[orow, pl.ds(16, 16)] = a1 * INV_SEQ
                out_v[orow, pl.ds(32, 16)] = a2 * INV_SEQ
                out_v[orow, pl.ds(48, 16)] = a3 * INV_SEQ

        fire(0, 0)

        def outer(i, carry):
            g = i * 2
            fire(g + 1, 1)
            drain(0)
            accum(g, 0)

            @pl.when(g + 2 < NG)
            def _():
                fire(g + 2, 0)

            drain(1)
            accum(g + 1, 1)
            return carry

        lax.fori_loop(0, NG // 2, outer, 0)

        pltpu.sync_copy(out_v, out_hbm.at[pl.ds(wid * ROWS_PER_W, ROWS_PER_W)])

    return enc


_enc = _build_kernel()


def kernel(text_ids, table):
    ids_flat = text_ids.reshape(-1).astype(jnp.int32) * 2
    table_p = jnp.pad(table, ((0, 0), (0, DIM))).reshape(2 * VOCAB_ROWS, DIM)
    return _enc(ids_flat, table_p)

# --- scband reference (transcript-rebuilt; emitter-appended) ---
"""Pipeline reference for scband-text-encoder-8452495639135 (READ-ONLY COPY).

The authoritative reference and input builder live on the scoring server;
editing this copy changes nothing except your own understanding.
"""

import jax, jax.numpy as jnp
import numpy as np

VOCAB = 1000000
EMBED_DIM = 64
BATCH = 4096
SEQ = 200


def setup_inputs(seed: int = 0) -> dict:
    key = jax.random.key(seed)
    k_idx, k_emb = jax.random.split(key)
    text_ids = jax.random.randint(k_idx, (BATCH, SEQ), 0, VOCAB, dtype=jnp.int64 if jax.config.read('jax_enable_x64') else jnp.int32)
    table = jax.random.normal(k_emb, (VOCAB, EMBED_DIM), dtype=jnp.float32)
    # padding_idx=0: row 0 is zero-initialized in nn.Embedding
    table = table.at[0].set(0.0)
    return {"text_ids": text_ids, "table": table}


def reference(text_ids, table):
    # nn.Embedding lookup
    emb = jnp.take(table, text_ids, axis=0)  # [B, L, D]
    # AdaptiveAvgPool1d(1) over the sequence dimension after transpose(1,2)
    # emb.transpose(1,2) -> [B, D, L]; pool to [B, D, 1]; squeeze -> [B, D]
    pooled = jnp.mean(emb, axis=1)  # [B, D]
    return pooled

if __name__ == "__main__":
    import jax
    _d = setup_inputs()
    print(jax.jit(kernel)(*tuple(_d.values())))

</pallas_src>

<mosaic_0001>
#map = affine_map<(d0, d1) -> (0)>
#map1 = affine_map<(d0, d1) -> (0, 0)>
module attributes {stable_mosaic.version = 14 : i64} {
  func.func @enc(%arg0: i32, %arg1: i32, %arg2: memref<819200xi32, #tpu.memory_space<hbm>>, %arg3: memref<2000000x64xf32, #tpu.memory_space<hbm>>, %arg4: memref<4096x64xf32, #tpu.memory_space<hbm>>, %arg5: memref<25600xi32, #tpu.memory_space<vmem>>, %arg6: memref<2x400x64xf32, #tpu.memory_space<vmem>>, %arg7: memref<128x64xf32, #tpu.memory_space<vmem>>, %arg8: memref<!tpu.dma_semaphore, #tpu.memory_space<semaphore_mem>>, %arg9: memref<!tpu.dma_semaphore, #tpu.memory_space<semaphore_mem>>) attributes {dimension_semantics = [#tpu.dimension_semantics<core_parallel>, #tpu.dimension_semantics<subcore_parallel>], iteration_bounds = array<i64: 2, 16>, scalar_prefetch = 0 : i64, scratch_operands = 5 : i64, tpu.core_type = #tpu.core_type<sc_vector_subcore>, window_params = [{transform_indices = #map}, {transform_indices = #map1}, {transform_indices = #map1}]} {
    %mul3A = arith.constant 2 : i32
    %mul3A_0 = arith.muli %arg1, %mul3A : i32
    %add3A = arith.addi %mul3A_0, %arg0 : i32
    %mul3A_1 = arith.constant 25600 : i32
    %mul3A_2 = arith.muli %add3A, %mul3A_1 : i32
    "tpu.region"() ({
      %run_scoped3A = tpu.sem_alloc : memref<!tpu.dma_semaphore, #tpu.memory_space<semaphore_mem>>
      %dma_start3A_49 = tpu.memref_slice %arg2[%mul3A_2] : memref<819200xi32, #tpu.memory_space<hbm>> -> memref<25600xi32, #tpu.memory_space<hbm>>
      %dma_start3A_50 = tpu.memref_slice %arg2[%mul3A_2] : memref<819200xi32, #tpu.memory_space<hbm>> -> memref<25600xi32, #tpu.memory_space<hbm>>
      tpu.enqueue_dma source(%dma_start3A_50 : memref<25600xi32, #tpu.memory_space<hbm>>) target(%arg5 : memref<25600xi32, #tpu.memory_space<vmem>>) target_semaphore(%run_scoped3A : memref<!tpu.dma_semaphore, #tpu.memory_space<semaphore_mem>>)
      %dma_wait3A = tpu.memref_slice %arg2[%mul3A_2] : memref<819200xi32, #tpu.memory_space<hbm>> -> memref<25600xi32, #tpu.memory_space<hbm>>
      %dma_wait3A_51 = tpu.memref_slice %arg2[%mul3A_2] : memref<819200xi32, #tpu.memory_space<hbm>> -> memref<25600xi32, #tpu.memory_space<hbm>>
      tpu.wait_dma2 semaphore(%run_scoped3A : memref<!tpu.dma_semaphore, #tpu.memory_space<semaphore_mem>>) src(%dma_wait3A_51 : memref<25600xi32, #tpu.memory_space<hbm>>) dst(%arg5 : memref<25600xi32, #tpu.memory_space<vmem>>)
      tpu.yield
    }) : () -> ()
    %dma_start3A = arith.constant 0 : i32
    %dma_start3A_3 = arith.constant 0 : i32
    %dma_start3A_4 = arith.constant 0 : i32
    %dma_start3A_5 = tpu.memref_slice %arg6[%dma_start3A, %dma_start3A_3, %dma_start3A_4] : memref<2x400x64xf32, #tpu.memory_space<vmem>> -> memref<1x128x64xf32, #tpu.memory_space<vmem>>
    %dma_start3A_6 = tpu.memref_squeeze %dma_start3A_5 : memref<1x128x64xf32, #tpu.memory_space<vmem>> -> memref<128x64xf32, #tpu.memory_space<vmem>>
    %dma_start3A_7 = arith.constant 0 : i32
    %dma_start3A_8 = tpu.memref_slice %arg5[%dma_start3A_7] : memref<25600xi32, #tpu.memory_space<vmem>> -> memref<128xi32, #tpu.memory_space<vmem>>
    %dma_start3A_9 = arith.constant 0 : i32
    %dma_start3A_10 = arith.constant 0 : i32
    %dma_start3A_11 = tpu.memref_slice %arg3[%dma_start3A_9, %dma_start3A_10] : memref<2000000x64xf32, #tpu.memory_space<hbm>> -> memref<2000000x64xf32, #tpu.memory_space<hbm>>
    tpu.enqueue_indirect_dma source(%dma_start3A_11 : memref<2000000x64xf32, #tpu.memory_space<hbm>>) target(%dma_start3A_6 : memref<128x64xf32, #tpu.memory_space<vmem>>) offsets(%dma_start3A_8 : memref<128xi32, #tpu.memory_space<vmem>>) semaphore(%arg8 : memref<!tpu.dma_semaphore, #tpu.memory_space<semaphore_mem>>)
    %dma_start3A_12 = arith.constant 0 : i32
    %dma_start3A_13 = arith.constant 128 : i32
    %dma_start3A_14 = arith.constant 0 : i32
    %dma_start3A_15 = tpu.memref_slice %arg6[%dma_start3A_12, %dma_start3A_13, %dma_start3A_14] : memref<2x400x64xf32, #tpu.memory_space<vmem>> -> memref<1x72x64xf32, #tpu.memory_space<vmem>>
    %dma_start3A_16 = tpu.memref_squeeze %dma_start3A_15 : memref<1x72x64xf32, #tpu.memory_space<vmem>> -> memref<72x64xf32, #tpu.memory_space<vmem>>
    %dma_start3A_17 = arith.constant 128 : i32
    %dma_start3A_18 = tpu.memref_slice %arg5[%dma_start3A_17] : memref<25600xi32, #tpu.memory_space<vmem>> -> memref<72xi32, #tpu.memory_space<vmem>>
    %dma_start3A_19 = arith.constant 0 : i32
    %dma_start3A_20 = arith.constant 0 : i32
    %dma_start3A_21 = tpu.memref_slice %arg3[%dma_start3A_19, %dma_start3A_20] : memref<2000000x64xf32, #tpu.memory_space<hbm>> -> memref<2000000x64xf32, #tpu.memory_space<hbm>>
    tpu.enqueue_indirect_dma source(%dma_start3A_21 : memref<2000000x64xf32, #tpu.memory_space<hbm>>) target(%dma_start3A_16 : memref<72x64xf32, #tpu.memory_space<vmem>>) offsets(%dma_start3A_18 : memref<72xi32, #tpu.memory_space<vmem>>) semaphore(%arg8 : memref<!tpu.dma_semaphore, #tpu.memory_space<semaphore_mem>>)
    %dma_start3A_22 = arith.constant 0 : i32
    %dma_start3A_23 = arith.constant 200 : i32
    %dma_start3A_24 = arith.constant 0 : i32
    %dma_start3A_25 = tpu.memref_slice %arg6[%dma_start3A_22, %dma_start3A_23, %dma_start3A_24] : memref<2x400x64xf32, #tpu.memory_space<vmem>> -> memref<1x128x64xf32, #tpu.memory_space<vmem>>
    %dma_start3A_26 = tpu.memref_squeeze %dma_start3A_25 : memref<1x128x64xf32, #tpu.memory_space<vmem>> -> memref<128x64xf32, #tpu.memory_space<vmem>>
    %dma_start3A_27 = arith.constant 200 : i32
    %dma_start3A_28 = tpu.memref_slice %arg5[%dma_start3A_27] : memref<25600xi32, #tpu.memory_space<vmem>> -> memref<128xi32, #tpu.memory_space<vmem>>
    %dma_start3A_29 = arith.constant 0 : i32
    %dma_start3A_30 = arith.constant 0 : i32
    %dma_start3A_31 = tpu.memref_slice %arg3[%dma_start3A_29, %dma_start3A_30] : memref<2000000x64xf32, #tpu.memory_space<hbm>> -> memref<2000000x64xf32, #tpu.memory_space<hbm>>
    tpu.enqueue_indirect_dma source(%dma_start3A_31 : memref<2000000x64xf32, #tpu.memory_space<hbm>>) target(%dma_start3A_26 : memref<128x64xf32, #tpu.memory_space<vmem>>) offsets(%dma_start3A_28 : memref<128xi32, #tpu.memory_space<vmem>>) semaphore(%arg8 : memref<!tpu.dma_semaphore, #tpu.memory_space<semaphore_mem>>)
    %dma_start3A_32 = arith.constant 0 : i32
    %dma_start3A_33 = arith.constant 328 : i32
    %dma_start3A_34 = arith.constant 0 : i32
    %dma_start3A_35 = tpu.memref_slice %arg6[%dma_start3A_32, %dma_start3A_33, %dma_start3A_34] : memref<2x400x64xf32, #tpu.memory_space<vmem>> -> memref<1x72x64xf32, #tpu.memory_space<vmem>>
    %dma_start3A_36 = tpu.memref_squeeze %dma_start3A_35 : memref<1x72x64xf32, #tpu.memory_space<vmem>> -> memref<72x64xf32, #tpu.memory_space<vmem>>
    %dma_start3A_37 = arith.constant 328 : i32
    %dma_start3A_38 = tpu.memref_slice %arg5[%dma_start3A_37] : memref<25600xi32, #tpu.memory_space<vmem>> -> memref<72xi32, #tpu.memory_space<vmem>>
    %dma_start3A_39 = arith.constant 0 : i32
    %dma_start3A_40 = arith.constant 0 : i32
    %dma_start3A_41 = tpu.memref_slice %arg3[%dma_start3A_39, %dma_start3A_40] : memref<2000000x64xf32, #tpu.memory_space<hbm>> -> memref<2000000x64xf32, #tpu.memory_space<hbm>>
    tpu.enqueue_indirect_dma source(%dma_start3A_41 : memref<2000000x64xf32, #tpu.memory_space<hbm>>) target(%dma_start3A_36 : memref<72x64xf32, #tpu.memory_space<vmem>>) offsets(%dma_start3A_38 : memref<72xi32, #tpu.memory_space<vmem>>) semaphore(%arg8 : memref<!tpu.dma_semaphore, #tpu.memory_space<semaphore_mem>>)
    %scan3A = arith.constant 0 : i32
    %scan3A_42 = arith.constant 0 : i32
    %scan3A_43 = arith.constant 32 : i32
    %scan3A_44 = arith.addi %scan3A_42, %scan3A_43 : i32
    %scan3A_45 = arith.constant 1 : i32
    scf.for %scan3A_49 = %scan3A_42 to %scan3A_44 step %scan3A_45  : i32 {
      %mul3A_50 = arith.constant 2 : i32
      %mul3A_51 = arith.muli %scan3A_49, %mul3A_50 : i32
      %add3A_52 = arith.constant 1 : i32
      %add3A_53 = arith.addi %mul3A_51, %add3A_52 : i32
      %mul3A_54 = arith.constant 400 : i32
      %mul3A_55 = arith.muli %add3A_53, %mul3A_54 : i32
      %add3A_56 = arith.constant 0 : i32
      %add3A_57 = arith.addi %mul3A_55, %add3A_56 : i32
      %add3A_58 = arith.constant 0 : i32
      %add3A_59 = arith.addi %add3A_57, %add3A_58 : i32
      %dma_start3A_60 = arith.constant 1 : i32
      %dma_start3A_61 = arith.constant 0 : i32
      %dma_start3A_62 = arith.constant 0 : i32
      %dma_start3A_63 = tpu.memref_slice %arg6[%dma_start3A_60, %dma_start3A_61, %dma_start3A_62] : memref<2x400x64xf32, #tpu.memory_space<vmem>> -> memref<1x128x64xf32, #tpu.memory_space<vmem>>
      %dma_start3A_64 = tpu.memref_squeeze %dma_start3A_63 : memref<1x128x64xf32, #tpu.memory_space<vmem>> -> memref<128x64xf32, #tpu.memory_space<vmem>>
      %dma_start3A_65 = tpu.memref_slice %arg5[%add3A_59] : memref<25600xi32, #tpu.memory_space<vmem>> -> memref<128xi32, #tpu.memory_space<vmem>>
      %dma_start3A_66 = arith.constant 0 : i32
      %dma_start3A_67 = arith.constant 0 : i32
      %dma_start3A_68 = tpu.memref_slice %arg3[%dma_start3A_66, %dma_start3A_67] : memref<2000000x64xf32, #tpu.memory_space<hbm>> -> memref<2000000x64xf32, #tpu.memory_space<hbm>>
      tpu.enqueue_indirect_dma source(%dma_start3A_68 : memref<2000000x64xf32, #tpu.memory_space<hbm>>) target(%dma_start3A_64 : memref<128x64xf32, #tpu.memory_space<vmem>>) offsets(%dma_start3A_65 : memref<128xi32, #tpu.memory_space<vmem>>) semaphore(%arg9 : memref<!tpu.dma_semaphore, #tpu.memory_space<semaphore_mem>>)
      %add3A_69 = arith.constant 0 : i32
      %add3A_70 = arith.addi %mul3A_55, %add3A_69 : i32
      %add3A_71 = arith.constant 128 : i32
      %add3A_72 = arith.addi %add3A_70, %add3A_71 : i32
      %dma_start3A_73 = arith.constant 1 : i32
      %dma_start3A_74 = arith.constant 128 : i32
      %dma_start3A_75 = arith.constant 0 : i32
      %dma_start3A_76 = tpu.memref_slice %arg6[%dma_start3A_73, %dma_start3A_74, %dma_start3A_75] : memref<2x400x64xf32, #tpu.memory_space<vmem>> -> memref<1x72x64xf32, #tpu.memory_space<vmem>>
      %dma_start3A_77 = tpu.memref_squeeze %dma_start3A_76 : memref<1x72x64xf32, #tpu.memory_space<vmem>> -> memref<72x64xf32, #tpu.memory_space<vmem>>
      %dma_start3A_78 = tpu.memref_slice %arg5[%add3A_72] : memref<25600xi32, #tpu.memory_space<vmem>> -> memref<72xi32, #tpu.memory_space<vmem>>
      %dma_start3A_79 = arith.constant 0 : i32
      %dma_start3A_80 = arith.constant 0 : i32
      %dma_start3A_81 = tpu.memref_slice %arg3[%dma_start3A_79, %dma_start3A_80] : memref<2000000x64xf32, #tpu.memory_space<hbm>> -> memref<2000000x64xf32, #tpu.memory_space<hbm>>
      tpu.enqueue_indirect_dma source(%dma_start3A_81 : memref<2000000x64xf32, #tpu.memory_space<hbm>>) target(%dma_start3A_77 : memref<72x64xf32, #tpu.memory_space<vmem>>) offsets(%dma_start3A_78 : memref<72xi32, #tpu.memory_space<vmem>>) semaphore(%arg9 : memref<!tpu.dma_semaphore, #tpu.memory_space<semaphore_mem>>)
      %add3A_82 = arith.constant 200 : i32
      %add3A_83 = arith.addi %mul3A_55, %add3A_82 : i32
      %add3A_84 = arith.constant 0 : i32
      %add3A_85 = arith.addi %add3A_83, %add3A_84 : i32
      %dma_start3A_86 = arith.constant 1 : i32
      %dma_start3A_87 = arith.constant 200 : i32
      %dma_start3A_88 = arith.constant 0 : i32
      %dma_start3A_89 = tpu.memref_slice %arg6[%dma_start3A_86, %dma_start3A_87, %dma_start3A_88] : memref<2x400x64xf32, #tpu.memory_space<vmem>> -> memref<1x128x64xf32, #tpu.memory_space<vmem>>
      %dma_start3A_90 = tpu.memref_squeeze %dma_start3A_89 : memref<1x128x64xf32, #tpu.memory_space<vmem>> -> memref<128x64xf32, #tpu.memory_space<vmem>>
      %dma_start3A_91 = tpu.memref_slice %arg5[%add3A_85] : memref<25600xi32, #tpu.memory_space<vmem>> -> memref<128xi32, #tpu.memory_space<vmem>>
      %dma_start3A_92 = arith.constant 0 : i32
      %dma_start3A_93 = arith.constant 0 : i32
      %dma_start3A_94 = tpu.memref_slice %arg3[%dma_start3A_92, %dma_start3A_93] : memref<2000000x64xf32, #tpu.memory_space<hbm>> -> memref<2000000x64xf32, #tpu.memory_space<hbm>>
      tpu.enqueue_indirect_dma source(%dma_start3A_94 : memref<2000000x64xf32, #tpu.memory_space<hbm>>) target(%dma_start3A_90 : memref<128x64xf32, #tpu.memory_space<vmem>>) offsets(%dma_start3A_91 : memref<128xi32, #tpu.memory_space<vmem>>) semaphore(%arg9 : memref<!tpu.dma_semaphore, #tpu.memory_space<semaphore_mem>>)
      %add3A_95 = arith.constant 200 : i32
      %add3A_96 = arith.addi %mul3A_55, %add3A_95 : i32
      %add3A_97 = arith.constant 128 : i32
      %add3A_98 = arith.addi %add3A_96, %add3A_97 : i32
      %dma_start3A_99 = arith.constant 1 : i32
      %dma_start3A_100 = arith.constant 328 : i32
      %dma_start3A_101 = arith.constant 0 : i32
      %dma_start3A_102 = tpu.memref_slice %arg6[%dma_start3A_99, %dma_start3A_100, %dma_start3A_101] : memref<2x400x64xf32, #tpu.memory_space<vmem>> -> memref<1x72x64xf32, #tpu.memory_space<vmem>>
      %dma_start3A_103 = tpu.memref_squeeze %dma_start3A_102 : memref<1x72x64xf32, #tpu.memory_space<vmem>> -> memref<72x64xf32, #tpu.memory_space<vmem>>
      %dma_start3A_104 = tpu.memref_slice %arg5[%add3A_98] : memref<25600xi32, #tpu.memory_space<vmem>> -> memref<72xi32, #tpu.memory_space<vmem>>
      %dma_start3A_105 = arith.constant 0 : i32
      %dma_start3A_106 = arith.constant 0 : i32
      %dma_start3A_107 = tpu.memref_slice %arg3[%dma_start3A_105, %dma_start3A_106] : memref<2000000x64xf32, #tpu.memory_space<hbm>> -> memref<2000000x64xf32, #tpu.memory_space<hbm>>
      tpu.enqueue_indirect_dma source(%dma_start3A_107 : memref<2000000x64xf32, #tpu.memory_space<hbm>>) target(%dma_start3A_103 : memref<72x64xf32, #tpu.memory_space<vmem>>) offsets(%dma_start3A_104 : memref<72xi32, #tpu.memory_space<vmem>>) semaphore(%arg9 : memref<!tpu.dma_semaphore, #tpu.memory_space<semaphore_mem>>)
      %dma_wait3A = arith.constant 0 : i32
      %dma_wait3A_108 = arith.constant 0 : i32
      %dma_wait3A_109 = arith.constant 0 : i32
      %dma_wait3A_110 = tpu.memref_slice %arg6[%dma_wait3A, %dma_wait3A_108, %dma_wait3A_109] : memref<2x400x64xf32, #tpu.memory_space<vmem>> -> memref<1x400x64xf32, #tpu.memory_space<vmem>>
      %dma_wait3A_111 = tpu.memref_squeeze %dma_wait3A_110 : memref<1x400x64xf32, #tpu.memory_space<vmem>> -> memref<400x64xf32, #tpu.memory_space<vmem>>
      %dma_wait3A_112 = arith.constant 0 : i32
      %dma_wait3A_113 = arith.constant 0 : i32
      %dma_wait3A_114 = tpu.memref_slice %arg3[%dma_wait3A_112, %dma_wait3A_113] : memref<2000000x64xf32, #tpu.memory_space<hbm>> -> memref<400x64xf32, #tpu.memory_space<hbm>>
      %dma_wait3A_115 = arith.constant 0 : i32
      %dma_wait3A_116 = arith.constant 0 : i32
      %dma_wait3A_117 = tpu.memref_slice %arg6[%dma_wait3A, %dma_wait3A_115, %dma_wait3A_116] : memref<2x400x64xf32, #tpu.memory_space<vmem>> -> memref<1x400x64xf32, #tpu.memory_space<vmem>>
      %dma_wait3A_118 = tpu.memref_squeeze %dma_wait3A_117 : memref<1x400x64xf32, #tpu.memory_space<vmem>> -> memref<400x64xf32, #tpu.memory_space<vmem>>
      %dma_wait3A_119 = arith.constant 0 : i32
      %dma_wait3A_120 = arith.constant 0 : i32
      %dma_wait3A_121 = tpu.memref_slice %arg3[%dma_wait3A_119, %dma_wait3A_120] : memref<2000000x64xf32, #tpu.memory_space<hbm>> -> memref<400x64xf32, #tpu.memory_space<hbm>>
      tpu.wait_dma2 semaphore(%arg8 : memref<!tpu.dma_semaphore, #tpu.memory_space<semaphore_mem>>) src(%dma_wait3A_121 : memref<400x64xf32, #tpu.memory_space<hbm>>) dst(%dma_wait3A_118 : memref<400x64xf32, #tpu.memory_space<vmem>>)
      %broadcast_in_dim3A = arith.constant 0.000000e+00 : f32
      %broadcast_in_dim3A_122 = vector.broadcast %broadcast_in_dim3A : f32 to vector<16xf32>
      %scan3A_123 = arith.constant 0 : i32
      %scan3A_124 = arith.constant 25 : i32
      %scan3A_125 = arith.addi %scan3A_123, %scan3A_124 : i32
      %scan3A_126 = arith.constant 1 : i32
      %scan3A_127:4 = scf.for %scan3A_285 = %scan3A_123 to %scan3A_125 step %scan3A_126 iter_args(%scan3A_286 = %broadcast_in_dim3A_122, %scan3A_287 = %broadcast_in_dim3A_122, %scan3A_288 = %broadcast_in_dim3A_122, %scan3A_289 = %broadcast_in_dim3A_122) -> (vector<16xf32>, vector<16xf32>, vector<16xf32>, vector<16xf32>)  : i32 {
        %mul3A_290 = arith.constant 8 : i32
        %mul3A_291 = arith.muli %scan3A_285, %mul3A_290 : i32
        %add3A_292 = arith.constant 0 : i32
        %add3A_293 = arith.addi %add3A_292, %mul3A_291 : i32
        %add3A_294 = arith.constant 0 : i32
        %add3A_295 = arith.addi %add3A_293, %add3A_294 : i32
        %get3A = arith.constant 0 : i32
        %get3A_296 = arith.index_cast %get3A : i32 to index
        %get3A_297 = arith.index_cast %add3A_295 : i32 to index
        %get3A_298 = arith.constant 0 : index
        %get3A_299 = tpu.vector_load %arg6[%get3A_296, %get3A_297, %get3A_298] {strides = array<i32>} : memref<2x400x64xf32, #tpu.memory_space<vmem>>, vector<16xf32>,
        %add3A_300 = arith.addf %scan3A_286, %get3A_299 : vector<16xf32>
        %add3A_301 = arith.constant 0 : i32
        %add3A_302 = arith.addi %add3A_293, %add3A_301 : i32
        %get3A_303 = arith.constant 0 : i32
        %get3A_304 = arith.index_cast %get3A_303 : i32 to index
        %get3A_305 = arith.index_cast %add3A_302 : i32 to index
        %get3A_306 = arith.constant 16 : index
        %get3A_307 = tpu.vector_load %arg6[%get3A_304, %get3A_305, %get3A_306] {strides = array<i32>} : memref<2x400x64xf32, #tpu.memory_space<vmem>>, vector<16xf32>,
        %add3A_308 = arith.addf %scan3A_287, %get3A_307 : vector<16xf32>
        %add3A_309 = arith.constant 0 : i32
        %add3A_310 = arith.addi %add3A_293, %add3A_309 : i32
        %get3A_311 = arith.constant 0 : i32
        %get3A_312 = arith.index_cast %get3A_311 : i32 to index
        %get3A_313 = arith.index_cast %add3A_310 : i32 to index
        %get3A_314 = arith.constant 32 : index
        %get3A_315 = tpu.vector_load %arg6[%get3A_312, %get3A_313, %get3A_314] {strides = array<i32>} : memref<2x400x64xf32, #tpu.memory_space<vmem>>, vector<16xf32>,
        %add3A_316 = arith.addf %scan3A_288, %get3A_315 : vector<16xf32>
        %add3A_317 = arith.constant 0 : i32
        %add3A_318 = arith.addi %add3A_293, %add3A_317 : i32
        %get3A_319 = arith.constant 0 : i32
        %get3A_320 = arith.index_cast %get3A_319 : i32 to index
        %get3A_321 = arith.index_cast %add3A_318 : i32 to index
        %get3A_322 = arith.constant 48 : index
        %get3A_323 = tpu.vector_load %arg6[%get3A_320, %get3A_321, %get3A_322] {strides = array<i32>} : memref<2x400x64xf32, #tpu.memory_space<vmem>>, vector<16xf32>,
        %add3A_324 = arith.addf %scan3A_289, %get3A_323 : vector<16xf32>
        %add3A_325 = arith.constant 1 : i32
        %add3A_326 = arith.addi %add3A_293, %add3A_325 : i32
        %get3A_327 = arith.constant 0 : i32
        %get3A_328 = arith.index_cast %get3A_327 : i32 to index
        %get3A_329 = arith.index_cast %add3A_326 : i32 to index
        %get3A_330 = arith.constant 0 : index
        %get3A_331 = tpu.vector_load %arg6[%get3A_328, %get3A_329, %get3A_330] {strides = array<i32>} : memref<2x400x64xf32, #tpu.memory_space<vmem>>, vector<16xf32>,
        %add3A_332 = arith.addf %add3A_300, %get3A_331 : vector<16xf32>
        %add3A_333 = arith.constant 1 : i32
        %add3A_334 = arith.addi %add3A_293, %add3A_333 : i32
        %get3A_335 = arith.constant 0 : i32
        %get3A_336 = arith.index_cast %get3A_335 : i32 to index
        %get3A_337 = arith.index_cast %add3A_334 : i32 to index
        %get3A_338 = arith.constant 16 : index
        %get3A_339 = tpu.vector_load %arg6[%get3A_336, %get3A_337, %get3A_338] {strides = array<i32>} : memref<2x400x64xf32, #tpu.memory_space<vmem>>, vector<16xf32>,
        %add3A_340 = arith.addf %add3A_308, %get3A_339 : vector<16xf32>
        %add3A_341 = arith.constant 1 : i32
        %add3A_342 = arith.addi %add3A_293, %add3A_341 : i32
        %get3A_343 = arith.constant 0 : i32
        %get3A_344 = arith.index_cast %get3A_343 : i32 to index
        %get3A_345 = arith.index_cast %add3A_342 : i32 to index
        %get3A_346 = arith.constant 32 : index
        %get3A_347 = tpu.vector_load %arg6[%get3A_344, %get3A_345, %get3A_346] {strides = array<i32>} : memref<2x400x64xf32, #tpu.memory_space<vmem>>, vector<16xf32>,
        %add3A_348 = arith.addf %add3A_316, %get3A_347 : vector<16xf32>
        %add3A_349 = arith.constant 1 : i32
        %add3A_350 = arith.addi %add3A_293, %add3A_349 : i32
        %get3A_351 = arith.constant 0 : i32
        %get3A_352 = arith.index_cast %get3A_351 : i32 to index
        %get3A_353 = arith.index_cast %add3A_350 : i32 to index
        %get3A_354 = arith.constant 48 : index
        %get3A_355 = tpu.vector_load %arg6[%get3A_352, %get3A_353, %get3A_354] {strides = array<i32>} : memref<2x400x64xf32, #tpu.memory_space<vmem>>, vector<16xf32>,
        %add3A_356 = arith.addf %add3A_324, %get3A_355 : vector<16xf32>
        %add3A_357 = arith.constant 2 : i32
        %add3A_358 = arith.addi %add3A_293, %add3A_357 : i32
        %get3A_359 = arith.constant 0 : i32
        %get3A_360 = arith.index_cast %get3A_359 : i32 to index
        %get3A_361 = arith.index_cast %add3A_358 : i32 to index
        %get3A_362 = arith.constant 0 : index
        %get3A_363 = tpu.vector_load %arg6[%get3A_360, %get3A_361, %get3A_362] {strides = array<i32>} : memref<2x400x64xf32, #tpu.memory_space<vmem>>, vector<16xf32>,
        %add3A_364 = arith.addf %add3A_332, %get3A_363 : vector<16xf32>
        %add3A_365 = arith.constant 2 : i32
        %add3A_366 = arith.addi %add3A_293, %add3A_365 : i32
        %get3A_367 = arith.constant 0 : i32
        %get3A_368 = arith.index_cast %get3A_367 : i32 to index
        %get3A_369 = arith.index_cast %add3A_366 : i32 to index
        %get3A_370 = arith.constant 16 : index
        %get3A_371 = tpu.vector_load %arg6[%get3A_368, %get3A_369, %get3A_370] {strides = array<i32>} : memref<2x400x64xf32, #tpu.memory_space<vmem>>, vector<16xf32>,
        %add3A_372 = arith.addf %add3A_340, %get3A_371 : vector<16xf32>
        %add3A_373 = arith.constant 2 : i32
        %add3A_374 = arith.addi %add3A_293, %add3A_373 : i32
        %get3A_375 = arith.constant 0 : i32
        %get3A_376 = arith.index_cast %get3A_375 : i32 to index
        %get3A_377 = arith.index_cast %add3A_374 : i32 to index
        %get3A_378 = arith.constant 32 : index
        %get3A_379 = tpu.vector_load %arg6[%get3A_376, %get3A_377, %get3A_378] {strides = array<i32>} : memref<2x400x64xf32, #tpu.memory_space<vmem>>, vector<16xf32>,
        %add3A_380 = arith.addf %add3A_348, %get3A_379 : vector<16xf32>
        %add3A_381 = arith.constant 2 : i32
        %add3A_382 = arith.addi %add3A_293, %add3A_381 : i32
        %get3A_383 = arith.constant 0 : i32
        %get3A_384 = arith.index_cast %get3A_383 : i32 to index
        %get3A_385 = arith.index_cast %add3A_382 : i32 to index
        %get3A_386 = arith.constant 48 : index
        %get3A_387 = tpu.vector_load %arg6[%get3A_384, %get3A_385, %get3A_386] {strides = array<i32>} : memref<2x400x64xf32, #tpu.memory_space<vmem>>, vector<16xf32>,
        %add3A_388 = arith.addf %add3A_356, %get3A_387 : vector<16xf32>
        %add3A_389 = arith.constant 3 : i32
        %add3A_390 = arith.addi %add3A_293, %add3A_389 : i32
        %get3A_391 = arith.constant 0 : i32
        %get3A_392 = arith.index_cast %get3A_391 : i32 to index
        %get3A_393 = arith.index_cast %add3A_390 : i32 to index
        %get3A_394 = arith.constant 0 : index
        %get3A_395 = tpu.vector_load %arg6[%get3A_392, %get3A_393, %get3A_394] {strides = array<i32>} : memref<2x400x64xf32, #tpu.memory_space<vmem>>, vector<16xf32>,
        %add3A_396 = arith.addf %add3A_364, %get3A_395 : vector<16xf32>
        %add3A_397 = arith.constant 3 : i32
        %add3A_398 = arith.addi %add3A_293, %add3A_397 : i32
        %get3A_399 = arith.constant 0 : i32
        %get3A_400 = arith.index_cast %get3A_399 : i32 to index
        %get3A_401 = arith.index_cast %add3A_398 : i32 to index
        %get3A_402 = arith.constant 16 : index
        %get3A_403 = tpu.vector_load %arg6[%get3A_400, %get3A_401, %get3A_402] {strides = array<i32>} : memref<2x400x64xf32, #tpu.memory_space<vmem>>, vector<16xf32>,
        %add3A_404 = arith.addf %add3A_372, %get3A_403 : vector<16xf32>
        %add3A_405 = arith.constant 3 : i32
        %add3A_406 = arith.addi %add3A_293, %add3A_405 : i32
        %get3A_407 = arith.constant 0 : i32
        %get3A_408 = arith.index_cast %get3A_407 : i32 to index
        %get3A_409 = arith.index_cast %add3A_406 : i32 to index
        %get3A_410 = arith.constant 32 : index
        %get3A_411 = tpu.vector_load %arg6[%get3A_408, %get3A_409, %get3A_410] {strides = array<i32>} : memref<2x400x64xf32, #tpu.memory_space<vmem>>, vector<16xf32>,
        %add3A_412 = arith.addf %add3A_380, %get3A_411 : vector<16xf32>
        %add3A_413 = arith.constant 3 : i32
        %add3A_414 = arith.addi %add3A_293, %add3A_413 : i32
        %get3A_415 = arith.constant 0 : i32
        %get3A_416 = arith.index_cast %get3A_415 : i32 to index
        %get3A_417 = arith.index_cast %add3A_414 : i32 to index
        %get3A_418 = arith.constant 48 : index
        %get3A_419 = tpu.vector_load %arg6[%get3A_416, %get3A_417, %get3A_418] {strides = array<i32>} : memref<2x400x64xf32, #tpu.memory_space<vmem>>, vector<16xf32>,
        %add3A_420 = arith.addf %add3A_388, %get3A_419 : vector<16xf32>
        %add3A_421 = arith.constant 4 : i32
        %add3A_422 = arith.addi %add3A_293, %add3A_421 : i32
        %get3A_423 = arith.constant 0 : i32
        %get3A_424 = arith.index_cast %get3A_423 : i32 to index
        %get3A_425 = arith.index_cast %add3A_422 : i32 to index
        %get3A_426 = arith.constant 0 : index
        %get3A_427 = tpu.vector_load %arg6[%get3A_424, %get3A_425, %get3A_426] {strides = array<i32>} : memref<2x400x64xf32, #tpu.memory_space<vmem>>, vector<16xf32>,
        %add3A_428 = arith.addf %add3A_396, %get3A_427 : vector<16xf32>
        %add3A_429 = arith.constant 4 : i32
        %add3A_430 = arith.addi %add3A_293, %add3A_429 : i32
        %get3A_431 = arith.constant 0 : i32
        %get3A_432 = arith.index_cast %get3A_431 : i32 to index
        %get3A_433 = arith.index_cast %add3A_430 : i32 to index
        %get3A_434 = arith.constant 16 : index
        %get3A_435 = tpu.vector_load %arg6[%get3A_432, %get3A_433, %get3A_434] {strides = array<i32>} : memref<2x400x64xf32, #tpu.memory_space<vmem>>, vector<16xf32>,
        %add3A_436 = arith.addf %add3A_404, %get3A_435 : vector<16xf32>
        %add3A_437 = arith.constant 4 : i32
        %add3A_438 = arith.addi %add3A_293, %add3A_437 : i32
        %get3A_439 = arith.constant 0 : i32
        %get3A_440 = arith.index_cast %get3A_439 : i32 to index
        %get3A_441 = arith.index_cast %add3A_438 : i32 to index
        %get3A_442 = arith.constant 32 : index
        %get3A_443 = tpu.vector_load %arg6[%get3A_440, %get3A_441, %get3A_442] {strides = array<i32>} : memref<2x400x64xf32, #tpu.memory_space<vmem>>, vector<16xf32>,
        %add3A_444 = arith.addf %add3A_412, %get3A_443 : vector<16xf32>
        %add3A_445 = arith.constant 4 : i32
        %add3A_446 = arith.addi %add3A_293, %add3A_445 : i32
        %get3A_447 = arith.constant 0 : i32
        %get3A_448 = arith.index_cast %get3A_447 : i32 to index
        %get3A_449 = arith.index_cast %add3A_446 : i32 to index
        %get3A_450 = arith.constant 48 : index
        %get3A_451 = tpu.vector_load %arg6[%get3A_448, %get3A_449, %get3A_450] {strides = array<i32>} : memref<2x400x64xf32, #tpu.memory_space<vmem>>, vector<16xf32>,
        %add3A_452 = arith.addf %add3A_420, %get3A_451 : vector<16xf32>
        %add3A_453 = arith.constant 5 : i32
        %add3A_454 = arith.addi %add3A_293, %add3A_453 : i32
        %get3A_455 = arith.constant 0 : i32
        %get3A_456 = arith.index_cast %get3A_455 : i32 to index
        %get3A_457 = arith.index_cast %add3A_454 : i32 to index
        %get3A_458 = arith.constant 0 : index
        %get3A_459 = tpu.vector_load %arg6[%get3A_456, %get3A_457, %get3A_458] {strides = array<i32>} : memref<2x400x64xf32, #tpu.memory_space<vmem>>, vector<16xf32>,
        %add3A_460 = arith.addf %add3A_428, %get3A_459 : vector<16xf32>
        %add3A_461 = arith.constant 5 : i32
        %add3A_462 = arith.addi %add3A_293, %add3A_461 : i32
        %get3A_463 = arith.constant 0 : i32
        %get3A_464 = arith.index_cast %get3A_463 : i32 to index
        %get3A_465 = arith.index_cast %add3A_462 : i32 to index
        %get3A_466 = arith.constant 16 : index
        %get3A_467 = tpu.vector_load %arg6[%get3A_464, %get3A_465, %get3A_466] {strides = array<i32>} : memref<2x400x64xf32, #tpu.memory_space<vmem>>, vector<16xf32>,
        %add3A_468 = arith.addf %add3A_436, %get3A_467 : vector<16xf32>
        %add3A_469 = arith.constant 5 : i32
        %add3A_470 = arith.addi %add3A_293, %add3A_469 : i32
        %get3A_471 = arith.constant 0 : i32
        %get3A_472 = arith.index_cast %get3A_471 : i32 to index
        %get3A_473 = arith.index_cast %add3A_470 : i32 to index
        %get3A_474 = arith.constant 32 : index
        %get3A_475 = tpu.vector_load %arg6[%get3A_472, %get3A_473, %get3A_474] {strides = array<i32>} : memref<2x400x64xf32, #tpu.memory_space<vmem>>, vector<16xf32>,
        %add3A_476 = arith.addf %add3A_444, %get3A_475 : vector<16xf32>
        %add3A_477 = arith.constant 5 : i32
        %add3A_478 = arith.addi %add3A_293, %add3A_477 : i32
        %get3A_479 = arith.constant 0 : i32
        %get3A_480 = arith.index_cast %get3A_479 : i32 to index
        %get3A_481 = arith.index_cast %add3A_478 : i32 to index
        %get3A_482 = arith.constant 48 : index
        %get3A_483 = tpu.vector_load %arg6[%get3A_480, %get3A_481, %get3A_482] {strides = array<i32>} : memref<2x400x64xf32, #tpu.memory_space<vmem>>, vector<16xf32>,
        %add3A_484 = arith.addf %add3A_452, %get3A_483 : vector<16xf32>
        %add3A_485 = arith.constant 6 : i32
        %add3A_486 = arith.addi %add3A_293, %add3A_485 : i32
        %get3A_487 = arith.constant 0 : i32
        %get3A_488 = arith.index_cast %get3A_487 : i32 to index
        %get3A_489 = arith.index_cast %add3A_486 : i32 to index
        %get3A_490 = arith.constant 0 : index
        %get3A_491 = tpu.vector_load %arg6[%get3A_488, %get3A_489, %get3A_490] {strides = array<i32>} : memref<2x400x64xf32, #tpu.memory_space<vmem>>, vector<16xf32>,
        %add3A_492 = arith.addf %add3A_460, %get3A_491 : vector<16xf32>
        %add3A_493 = arith.constant 6 : i32
        %add3A_494 = arith.addi %add3A_293, %add3A_493 : i32
        %get3A_495 = arith.constant 0 : i32
        %get3A_496 = arith.index_cast %get3A_495 : i32 to index
        %get3A_497 = arith.index_cast %add3A_494 : i32 to index
        %get3A_498 = arith.constant 16 : index
        %get3A_499 = tpu.vector_load %arg6[%get3A_496, %get3A_497, %get3A_498] {strides = array<i32>} : memref<2x400x64xf32, #tpu.memory_space<vmem>>, vector<16xf32>,
        %add3A_500 = arith.addf %add3A_468, %get3A_499 : vector<16xf32>
        %add3A_501 = arith.constant 6 : i32
        %add3A_502 = arith.addi %add3A_293, %add3A_501 : i32
        %get3A_503 = arith.constant 0 : i32
        %get3A_504 = arith.index_cast %get3A_503 : i32 to index
        %get3A_505 = arith.index_cast %add3A_502 : i32 to index
        %get3A_506 = arith.constant 32 : index
        %get3A_507 = tpu.vector_load %arg6[%get3A_504, %get3A_505, %get3A_506] {strides = array<i32>} : memref<2x400x64xf32, #tpu.memory_space<vmem>>, vector<16xf32>,
        %add3A_508 = arith.addf %add3A_476, %get3A_507 : vector<16xf32>
        %add3A_509 = arith.constant 6 : i32
        %add3A_510 = arith.addi %add3A_293, %add3A_509 : i32
        %get3A_511 = arith.constant 0 : i32
        %get3A_512 = arith.index_cast %get3A_511 : i32 to index
        %get3A_513 = arith.index_cast %add3A_510 : i32 to index
        %get3A_514 = arith.constant 48 : index
        %get3A_515 = tpu.vector_load %arg6[%get3A_512, %get3A_513, %get3A_514] {strides = array<i32>} : memref<2x400x64xf32, #tpu.memory_space<vmem>>, vector<16xf32>,
        %add3A_516 = arith.addf %add3A_484, %get3A_515 : vector<16xf32>
        %add3A_517 = arith.constant 7 : i32
        %add3A_518 = arith.addi %add3A_293, %add3A_517 : i32
        %get3A_519 = arith.constant 0 : i32
        %get3A_520 = arith.index_cast %get3A_519 : i32 to index
        %get3A_521 = arith.index_cast %add3A_518 : i32 to index
        %get3A_522 = arith.constant 0 : index
        %get3A_523 = tpu.vector_load %arg6[%get3A_520, %get3A_521, %get3A_522] {strides = array<i32>} : memref<2x400x64xf32, #tpu.memory_space<vmem>>, vector<16xf32>,
        %add3A_524 = arith.addf %add3A_492, %get3A_523 : vector<16xf32>
        %add3A_525 = arith.constant 7 : i32
        %add3A_526 = arith.addi %add3A_293, %add3A_525 : i32
        %get3A_527 = arith.constant 0 : i32
        %get3A_528 = arith.index_cast %get3A_527 : i32 to index
        %get3A_529 = arith.index_cast %add3A_526 : i32 to index
        %get3A_530 = arith.constant 16 : index
        %get3A_531 = tpu.vector_load %arg6[%get3A_528, %get3A_529, %get3A_530] {strides = array<i32>} : memref<2x400x64xf32, #tpu.memory_space<vmem>>, vector<16xf32>,
        %add3A_532 = arith.addf %add3A_500, %get3A_531 : vector<16xf32>
        %add3A_533 = arith.constant 7 : i32
        %add3A_534 = arith.addi %add3A_293, %add3A_533 : i32
        %get3A_535 = arith.constant 0 : i32
        %get3A_536 = arith.index_cast %get3A_535 : i32 to index
        %get3A_537 = arith.index_cast %add3A_534 : i32 to index
        %get3A_538 = arith.constant 32 : index
        %get3A_539 = tpu.vector_load %arg6[%get3A_536, %get3A_537, %get3A_538] {strides = array<i32>} : memref<2x400x64xf32, #tpu.memory_space<vmem>>, vector<16xf32>,
        %add3A_540 = arith.addf %add3A_508, %get3A_539 : vector<16xf32>
        %add3A_541 = arith.constant 7 : i32
        %add3A_542 = arith.addi %add3A_293, %add3A_541 : i32
        %get3A_543 = arith.constant 0 : i32
        %get3A_544 = arith.index_cast %get3A_543 : i32 to index
        %get3A_545 = arith.index_cast %add3A_542 : i32 to index
        %get3A_546 = arith.constant 48 : index
        %get3A_547 = tpu.vector_load %arg6[%get3A_544, %get3A_545, %get3A_546] {strides = array<i32>} : memref<2x400x64xf32, #tpu.memory_space<vmem>>, vector<16xf32>,
        %add3A_548 = arith.addf %add3A_516, %get3A_547 : vector<16xf32>
        scf.yield %add3A_524, %add3A_532, %add3A_540, %add3A_548 : vector<16xf32>, vector<16xf32>, vector<16xf32>, vector<16xf32>
      }
      %scan3A_128 = arith.constant 25 : i32
      %mul3A_129 = arith.constant 2 : i32
      %mul3A_130 = arith.muli %mul3A_51, %mul3A_129 : i32
      %add3A_131 = arith.constant 0 : i32
      %add3A_132 = arith.addi %mul3A_130, %add3A_131 : i32
      %mul3A_133 = arith.constant 5.000000e-03 : f32
      %mul3A_134 = vector.broadcast %mul3A_133 : f32 to vector<16xf32>
      %mul3A_135 = arith.mulf %scan3A_127#0, %mul3A_134 : vector<16xf32>
      %swap3A = arith.index_cast %add3A_132 : i32 to index
      %swap3A_136 = arith.constant 0 : index
      %swap3A_137 = tpu.vector_load %arg7[%swap3A, %swap3A_136] {strides = array<i32>} : memref<128x64xf32, #tpu.memory_space<vmem>>, vector<16xf32>,
      tpu.vector_store %arg7[%swap3A, %swap3A_136], %mul3A_135 {strides = array<i32>} : memref<128x64xf32, #tpu.memory_space<vmem>>, vector<16xf32>,
      %mul3A_138 = arith.constant 5.000000e-03 : f32
      %mul3A_139 = vector.broadcast %mul3A_138 : f32 to vector<16xf32>
      %mul3A_140 = arith.mulf %scan3A_127#1, %mul3A_139 : vector<16xf32>
      %swap3A_141 = arith.index_cast %add3A_132 : i32 to index
      %swap3A_142 = arith.constant 16 : index
      %swap3A_143 = tpu.vector_load %arg7[%swap3A_141, %swap3A_142] {strides = array<i32>} : memref<128x64xf32, #tpu.memory_space<vmem>>, vector<16xf32>,
      tpu.vector_store %arg7[%swap3A_141, %swap3A_142], %mul3A_140 {strides = array<i32>} : memref<128x64xf32, #tpu.memory_space<vmem>>, vector<16xf32>,
      %mul3A_144 = arith.constant 5.000000e-03 : f32
      %mul3A_145 = vector.broadcast %mul3A_144 : f32 to vector<16xf32>
      %mul3A_146 = arith.mulf %scan3A_127#2, %mul3A_145 : vector<16xf32>
      %swap3A_147 = arith.index_cast %add3A_132 : i32 to index
      %swap3A_148 = arith.constant 32 : index
      %swap3A_149 = tpu.vector_load %arg7[%swap3A_147, %swap3A_148] {strides = array<i32>} : memref<128x64xf32, #tpu.memory_space<vmem>>, vector<16xf32>,
      tpu.vector_store %arg7[%swap3A_147, %swap3A_148], %mul3A_146 {strides = array<i32>} : memref<128x64xf32, #tpu.memory_space<vmem>>, vector<16xf32>,
      %mul3A_150 = arith.constant 5.000000e-03 : f32
      %mul3A_151 = vector.broadcast %mul3A_150 : f32 to vector<16xf32>
      %mul3A_152 = arith.mulf %scan3A_127#3, %mul3A_151 : vector<16xf32>
      %swap3A_153 = arith.index_cast %add3A_132 : i32 to index
      %swap3A_154 = arith.constant 48 : index
      %swap3A_155 = tpu.vector_load %arg7[%swap3A_153, %swap3A_154] {strides = array<i32>} : memref<128x64xf32, #tpu.memory_space<vmem>>, vector<16xf32>,
      tpu.vector_store %arg7[%swap3A_153, %swap3A_154], %mul3A_152 {strides = array<i32>} : memref<128x64xf32, #tpu.memory_space<vmem>>, vector<16xf32>,
      %broadcast_in_dim3A_156 = arith.constant 0.000000e+00 : f32
      %broadcast_in_dim3A_157 = vector.broadcast %broadcast_in_dim3A_156 : f32 to vector<16xf32>
      %scan3A_158 = arith.constant 0 : i32
      %scan3A_159 = arith.constant 25 : i32
      %scan3A_160 = arith.addi %scan3A_158, %scan3A_159 : i32
      %scan3A_161 = arith.constant 1 : i32
      %scan3A_162:4 = scf.for %scan3A_285 = %scan3A_158 to %scan3A_160 step %scan3A_161 iter_args(%scan3A_286 = %broadcast_in_dim3A_157, %scan3A_287 = %broadcast_in_dim3A_157, %scan3A_288 = %broadcast_in_dim3A_157, %scan3A_289 = %broadcast_in_dim3A_157) -> (vector<16xf32>, vector<16xf32>, vector<16xf32>, vector<16xf32>)  : i32 {
        %mul3A_290 = arith.constant 8 : i32
        %mul3A_291 = arith.muli %scan3A_285, %mul3A_290 : i32
        %add3A_292 = arith.constant 200 : i32
        %add3A_293 = arith.addi %add3A_292, %mul3A_291 : i32
        %add3A_294 = arith.constant 0 : i32
        %add3A_295 = arith.addi %add3A_293, %add3A_294 : i32
        %get3A = arith.constant 0 : i32
        %get3A_296 = arith.index_cast %get3A : i32 to index
        %get3A_297 = arith.index_cast %add3A_295 : i32 to index
        %get3A_298 = arith.constant 0 : index
        %get3A_299 = tpu.vector_load %arg6[%get3A_296, %get3A_297, %get3A_298] {strides = array<i32>} : memref<2x400x64xf32, #tpu.memory_space<vmem>>, vector<16xf32>,
        %add3A_300 = arith.addf %scan3A_286, %get3A_299 : vector<16xf32>
        %add3A_301 = arith.constant 0 : i32
        %add3A_302 = arith.addi %add3A_293, %add3A_301 : i32
        %get3A_303 = arith.constant 0 : i32
        %get3A_304 = arith.index_cast %get3A_303 : i32 to index
        %get3A_305 = arith.index_cast %add3A_302 : i32 to index
        %get3A_306 = arith.constant 16 : index
        %get3A_307 = tpu.vector_load %arg6[%get3A_304, %get3A_305, %get3A_306] {strides = array<i32>} : memref<2x400x64xf32, #tpu.memory_space<vmem>>, vector<16xf32>,
        %add3A_308 = arith.addf %scan3A_287, %get3A_307 : vector<16xf32>
        %add3A_309 = arith.constant 0 : i32
        %add3A_310 = arith.addi %add3A_293, %add3A_309 : i32
        %get3A_311 = arith.constant 0 : i32
        %get3A_312 = arith.index_cast %get3A_311 : i32 to index
        %get3A_313 = arith.index_cast %add3A_310 : i32 to index
        %get3A_314 = arith.constant 32 : index
        %get3A_315 = tpu.vector_load %arg6[%get3A_312, %get3A_313, %get3A_314] {strides = array<i32>} : memref<2x400x64xf32, #tpu.memory_space<vmem>>, vector<16xf32>,
        %add3A_316 = arith.addf %scan3A_288, %get3A_315 : vector<16xf32>
        %add3A_317 = arith.constant 0 : i32
        %add3A_318 = arith.addi %add3A_293, %add3A_317 : i32
        %get3A_319 = arith.constant 0 : i32
        %get3A_320 = arith.index_cast %get3A_319 : i32 to index
        %get3A_321 = arith.index_cast %add3A_318 : i32 to index
        %get3A_322 = arith.constant 48 : index
        %get3A_323 = tpu.vector_load %arg6[%get3A_320, %get3A_321, %get3A_322] {strides = array<i32>} : memref<2x400x64xf32, #tpu.memory_space<vmem>>, vector<16xf32>,
        %add3A_324 = arith.addf %scan3A_289, %get3A_323 : vector<16xf32>
        %add3A_325 = arith.constant 1 : i32
        %add3A_326 = arith.addi %add3A_293, %add3A_325 : i32
        %get3A_327 = arith.constant 0 : i32
        %get3A_328 = arith.index_cast %get3A_327 : i32 to index
        %get3A_329 = arith.index_cast %add3A_326 : i32 to index
        %get3A_330 = arith.constant 0 : index
        %get3A_331 = tpu.vector_load %arg6[%get3A_328, %get3A_329, %get3A_330] {strides = array<i32>} : memref<2x400x64xf32, #tpu.memory_space<vmem>>, vector<16xf32>,
        %add3A_332 = arith.addf %add3A_300, %get3A_331 : vector<16xf32>
        %add3A_333 = arith.constant 1 : i32
        %add3A_334 = arith.addi %add3A_293, %add3A_333 : i32
        %get3A_335 = arith.constant 0 : i32
        %get3A_336 = arith.index_cast %get3A_335 : i32 to index
        %get3A_337 = arith.index_cast %add3A_334 : i32 to index
        %get3A_338 = arith.constant 16 : index
        %get3A_339 = tpu.vector_load %arg6[%get3A_336, %get3A_337, %get3A_338] {strides = array<i32>} : memref<2x400x64xf32, #tpu.memory_space<vmem>>, vector<16xf32>,
        %add3A_340 = arith.addf %add3A_308, %get3A_339 : vector<16xf32>
        %add3A_341 = arith.constant 1 : i32
        %add3A_342 = arith.addi %add3A_293, %add3A_341 : i32
        %get3A_343 = arith.constant 0 : i32
        %get3A_344 = arith.index_cast %get3A_343 : i32 to index
        %get3A_345 = arith.index_cast %add3A_342 : i32 to index
        %get3A_346 = arith.constant 32 : index
        %get3A_347 = tpu.vector_load %arg6[%get3A_344, %get3A_345, %get3A_346] {strides = array<i32>} : memref<2x400x64xf32, #tpu.memory_space<vmem>>, vector<16xf32>,
        %add3A_348 = arith.addf %add3A_316, %get3A_347 : vector<16xf32>
        %add3A_349 = arith.constant 1 : i32
        %add3A_350 = arith.addi %add3A_293, %add3A_349 : i32
        %get3A_351 = arith.constant 0 : i32
        %get3A_352 = arith.index_cast %get3A_351 : i32 to index
        %get3A_353 = arith.index_cast %add3A_350 : i32 to index
        %get3A_354 = arith.constant 48 : index
        %get3A_355 = tpu.vector_load %arg6[%get3A_352, %get3A_353, %get3A_354] {strides = array<i32>} : memref<2x400x64xf32, #tpu.memory_space<vmem>>, vector<16xf32>,
        %add3A_356 = arith.addf %add3A_324, %get3A_355 : vector<16xf32>
        %add3A_357 = arith.constant 2 : i32
        %add3A_358 = arith.addi %add3A_293, %add3A_357 : i32
        %get3A_359 = arith.constant 0 : i32
        %get3A_360 = arith.index_cast %get3A_359 : i32 to index
        %get3A_361 = arith.index_cast %add3A_358 : i32 to index
        %get3A_362 = arith.constant 0 : index
        %get3A_363 = tpu.vector_load %arg6[%get3A_360, %get3A_361, %get3A_362] {strides = array<i32>} : memref<2x400x64xf32, #tpu.memory_space<vmem>>, vector<16xf32>,
        %add3A_364 = arith.addf %add3A_332, %get3A_363 : vector<16xf32>
        %add3A_365 = arith.constant 2 : i32
        %add3A_366 = arith.addi %add3A_293, %add3A_365 : i32
        %get3A_367 = arith.constant 0 : i32
        %get3A_368 = arith.index_cast %get3A_367 : i32 to index
        %get3A_369 = arith.index_cast %add3A_366 : i32 to index
        %get3A_370 = arith.constant 16 : index
        %get3A_371 = tpu.vector_load %arg6[%get3A_368, %get3A_369, %get3A_370] {strides = array<i32>} : memref<2x400x64xf32, #tpu.memory_space<vmem>>, vector<16xf32>,
        %add3A_372 = arith.addf %add3A_340, %get3A_371 : vector<16xf32>
        %add3A_373 = arith.constant 2 : i32
        %add3A_374 = arith.addi %add3A_293, %add3A_373 : i32
        %get3A_375 = arith.constant 0 : i32
        %get3A_376 = arith.index_cast %get3A_375 : i32 to index
        %get3A_377 = arith.index_cast %add3A_374 : i32 to index
        %get3A_378 = arith.constant 32 : index
        %get3A_379 = tpu.vector_load %arg6[%get3A_376, %get3A_377, %get3A_378] {strides = array<i32>} : memref<2x400x64xf32, #tpu.memory_space<vmem>>, vector<16xf32>,
        %add3A_380 = arith.addf %add3A_348, %get3A_379 : vector<16xf32>
        %add3A_381 = arith.constant 2 : i32
        %add3A_382 = arith.addi %add3A_293, %add3A_381 : i32
        %get3A_383 = arith.constant 0 : i32
        %get3A_384 = arith.index_cast %get3A_383 : i32 to index
        %get3A_385 = arith.index_cast %add3A_382 : i32 to index
        %get3A_386 = arith.constant 48 : index
        %get3A_387 = tpu.vector_load %arg6[%get3A_384, %get3A_385, %get3A_386] {strides = array<i32>} : memref<2x400x64xf32, #tpu.memory_space<vmem>>, vector<16xf32>,
        %add3A_388 = arith.addf %add3A_356, %get3A_387 : vector<16xf32>
        %add3A_389 = arith.constant 3 : i32
        %add3A_390 = arith.addi %add3A_293, %add3A_389 : i32
        %get3A_391 = arith.constant 0 : i32
        %get3A_392 = arith.index_cast %get3A_391 : i32 to index
        %get3A_393 = arith.index_cast %add3A_390 : i32 to index
        %get3A_394 = arith.constant 0 : index
        %get3A_395 = tpu.vector_load %arg6[%get3A_392, %get3A_393, %get3A_394] {strides = array<i32>} : memref<2x400x64xf32, #tpu.memory_space<vmem>>, vector<16xf32>,
        %add3A_396 = arith.addf %add3A_364, %get3A_395 : vector<16xf32>
        %add3A_397 = arith.constant 3 : i32
        %add3A_398 = arith.addi %add3A_293, %add3A_397 : i32
        %get3A_399 = arith.constant 0 : i32
        %get3A_400 = arith.index_cast %get3A_399 : i32 to index
        %get3A_401 = arith.index_cast %add3A_398 : i32 to index
        %get3A_402 = arith.constant 16 : index
        %get3A_403 = tpu.vector_load %arg6[%get3A_400, %get3A_401, %get3A_402] {strides = array<i32>} : memref<2x400x64xf32, #tpu.memory_space<vmem>>, vector<16xf32>,
        %add3A_404 = arith.addf %add3A_372, %get3A_403 : vector<16xf32>
        %add3A_405 = arith.constant 3 : i32
        %add3A_406 = arith.addi %add3A_293, %add3A_405 : i32
        %get3A_407 = arith.constant 0 : i32
        %get3A_408 = arith.index_cast %get3A_407 : i32 to index
        %get3A_409 = arith.index_cast %add3A_406 : i32 to index
        %get3A_410 = arith.constant 32 : index
        %get3A_411 = tpu.vector_load %arg6[%get3A_408, %get3A_409, %get3A_410] {strides = array<i32>} : memref<2x400x64xf32, #tpu.memory_space<vmem>>, vector<16xf32>,
        %add3A_412 = arith.addf %add3A_380, %get3A_411 : vector<16xf32>
        %add3A_413 = arith.constant 3 : i32
        %add3A_414 = arith.addi %add3A_293, %add3A_413 : i32
        %get3A_415 = arith.constant 0 : i32
        %get3A_416 = arith.index_cast %get3A_415 : i32 to index
        %get3A_417 = arith.index_cast %add3A_414 : i32 to index
        %get3A_418 = arith.constant 48 : index
        %get3A_419 = tpu.vector_load %arg6[%get3A_416, %get3A_417, %get3A_418] {strides = array<i32>} : memref<2x400x64xf32, #tpu.memory_space<vmem>>, vector<16xf32>,
        %add3A_420 = arith.addf %add3A_388, %get3A_419 : vector<16xf32>
        %add3A_421 = arith.constant 4 : i32
        %add3A_422 = arith.addi %add3A_293, %add3A_421 : i32
        %get3A_423 = arith.constant 0 : i32
        %get3A_424 = arith.index_cast %get3A_423 : i32 to index
        %get3A_425 = arith.index_cast %add3A_422 : i32 to index
        %get3A_426 = arith.constant 0 : index
        %get3A_427 = tpu.vector_load %arg6[%get3A_424, %get3A_425, %get3A_426] {strides = array<i32>} : memref<2x400x64xf32, #tpu.memory_space<vmem>>, vector<16xf32>,
        %add3A_428 = arith.addf %add3A_396, %get3A_427 : vector<16xf32>
        %add3A_429 = arith.constant 4 : i32
        %add3A_430 = arith.addi %add3A_293, %add3A_429 : i32
        %get3A_431 = arith.constant 0 : i32
        %get3A_432 = arith.index_cast %get3A_431 : i32 to index
        %get3A_433 = arith.index_cast %add3A_430 : i32 to index
        %get3A_434 = arith.constant 16 : index
        %get3A_435 = tpu.vector_load %arg6[%get3A_432, %get3A_433, %get3A_434] {strides = array<i32>} : memref<2x400x64xf32, #tpu.memory_space<vmem>>, vector<16xf32>,
        %add3A_436 = arith.addf %add3A_404, %get3A_435 : vector<16xf32>
        %add3A_437 = arith.constant 4 : i32
        %add3A_438 = arith.addi %add3A_293, %add3A_437 : i32
        %get3A_439 = arith.constant 0 : i32
        %get3A_440 = arith.index_cast %get3A_439 : i32 to index
        %get3A_441 = arith.index_cast %add3A_438 : i32 to index
        %get3A_442 = arith.constant 32 : index
        %get3A_443 = tpu.vector_load %arg6[%get3A_440, %get3A_441, %get3A_442] {strides = array<i32>} : memref<2x400x64xf32, #tpu.memory_space<vmem>>, vector<16xf32>,
        %add3A_444 = arith.addf %add3A_412, %get3A_443 : vector<16xf32>
        %add3A_445 = arith.constant 4 : i32
        %add3A_446 = arith.addi %add3A_293, %add3A_445 : i32
        %get3A_447 = arith.constant 0 : i32
        %get3A_448 = arith.index_cast %get3A_447 : i32 to index
        %get3A_449 = arith.index_cast %add3A_446 : i32 to index
        %get3A_450 = arith.constant 48 : index
        %get3A_451 = tpu.vector_load %arg6[%get3A_448, %get3A_449, %get3A_450] {strides = array<i32>} : memref<2x400x64xf32, #tpu.memory_space<vmem>>, vector<16xf32>,
        %add3A_452 = arith.addf %add3A_420, %get3A_451 : vector<16xf32>
        %add3A_453 = arith.constant 5 : i32
        %add3A_454 = arith.addi %add3A_293, %add3A_453 : i32
        %get3A_455 = arith.constant 0 : i32
        %get3A_456 = arith.index_cast %get3A_455 : i32 to index
        %get3A_457 = arith.index_cast %add3A_454 : i32 to index
        %get3A_458 = arith.constant 0 : index
        %get3A_459 = tpu.vector_load %arg6[%get3A_456, %get3A_457, %get3A_458] {strides = array<i32>} : memref<2x400x64xf32, #tpu.memory_space<vmem>>, vector<16xf32>,
        %add3A_460 = arith.addf %add3A_428, %get3A_459 : vector<16xf32>
        %add3A_461 = arith.constant 5 : i32
        %add3A_462 = arith.addi %add3A_293, %add3A_461 : i32
        %get3A_463 = arith.constant 0 : i32
        %get3A_464 = arith.index_cast %get3A_463 : i32 to index
        %get3A_465 = arith.index_cast %add3A_462 : i32 to index
        %get3A_466 = arith.constant 16 : index
        %get3A_467 = tpu.vector_load %arg6[%get3A_464, %get3A_465, %get3A_466] {strides = array<i32>} : memref<2x400x64xf32, #tpu.memory_space<vmem>>, vector<16xf32>,
        %add3A_468 = arith.addf %add3A_436, %get3A_467 : vector<16xf32>
        %add3A_469 = arith.constant 5 : i32
        %add3A_470 = arith.addi %add3A_293, %add3A_469 : i32
        %get3A_471 = arith.constant 0 : i32
        %get3A_472 = arith.index_cast %get3A_471 : i32 to index
        %get3A_473 = arith.index_cast %add3A_470 : i32 to index
        %get3A_474 = arith.constant 32 : index
        %get3A_475 = tpu.vector_load %arg6[%get3A_472, %get3A_473, %get3A_474] {strides = array<i32>} : memref<2x400x64xf32, #tpu.memory_space<vmem>>, vector<16xf32>,
        %add3A_476 = arith.addf %add3A_444, %get3A_475 : vector<16xf32>
        %add3A_477 = arith.constant 5 : i32
        %add3A_478 = arith.addi %add3A_293, %add3A_477 : i32
        %get3A_479 = arith.constant 0 : i32
        %get3A_480 = arith.index_cast %get3A_479 : i32 to index
        %get3A_481 = arith.index_cast %add3A_478 : i32 to index
        %get3A_482 = arith.constant 48 : index
        %get3A_483 = tpu.vector_load %arg6[%get3A_480, %get3A_481, %get3A_482] {strides = array<i32>} : memref<2x400x64xf32, #tpu.memory_space<vmem>>, vector<16xf32>,
        %add3A_484 = arith.addf %add3A_452, %get3A_483 : vector<16xf32>
        %add3A_485 = arith.constant 6 : i32
        %add3A_486 = arith.addi %add3A_293, %add3A_485 : i32
        %get3A_487 = arith.constant 0 : i32
        %get3A_488 = arith.index_cast %get3A_487 : i32 to index
        %get3A_489 = arith.index_cast %add3A_486 : i32 to index
        %get3A_490 = arith.constant 0 : index
        %get3A_491 = tpu.vector_load %arg6[%get3A_488, %get3A_489, %get3A_490] {strides = array<i32>} : memref<2x400x64xf32, #tpu.memory_space<vmem>>, vector<16xf32>,
        %add3A_492 = arith.addf %add3A_460, %get3A_491 : vector<16xf32>
        %add3A_493 = arith.constant 6 : i32
        %add3A_494 = arith.addi %add3A_293, %add3A_493 : i32
        %get3A_495 = arith.constant 0 : i32
        %get3A_496 = arith.index_cast %get3A_495 : i32 to index
        %get3A_497 = arith.index_cast %add3A_494 : i32 to index
        %get3A_498 = arith.constant 16 : index
        %get3A_499 = tpu.vector_load %arg6[%get3A_496, %get3A_497, %get3A_498] {strides = array<i32>} : memref<2x400x64xf32, #tpu.memory_space<vmem>>, vector<16xf32>,
        %add3A_500 = arith.addf %add3A_468, %get3A_499 : vector<16xf32>
        %add3A_501 = arith.constant 6 : i32
        %add3A_502 = arith.addi %add3A_293, %add3A_501 : i32
        %get3A_503 = arith.constant 0 : i32
        %get3A_504 = arith.index_cast %get3A_503 : i32 to index
        %get3A_505 = arith.index_cast %add3A_502 : i32 to index
        %get3A_506 = arith.constant 32 : index
        %get3A_507 = tpu.vector_load %arg6[%get3A_504, %get3A_505, %get3A_506] {strides = array<i32>} : memref<2x400x64xf32, #tpu.memory_space<vmem>>, vector<16xf32>,
        %add3A_508 = arith.addf %add3A_476, %get3A_507 : vector<16xf32>
        %add3A_509 = arith.constant 6 : i32
        %add3A_510 = arith.addi %add3A_293, %add3A_509 : i32
        %get3A_511 = arith.constant 0 : i32
        %get3A_512 = arith.index_cast %get3A_511 : i32 to index
        %get3A_513 = arith.index_cast %add3A_510 : i32 to index
        %get3A_514 = arith.constant 48 : index
        %get3A_515 = tpu.vector_load %arg6[%get3A_512, %get3A_513, %get3A_514] {strides = array<i32>} : memref<2x400x64xf32, #tpu.memory_space<vmem>>, vector<16xf32>,
        %add3A_516 = arith.addf %add3A_484, %get3A_515 : vector<16xf32>
        %add3A_517 = arith.constant 7 : i32
        %add3A_518 = arith.addi %add3A_293, %add3A_517 : i32
        %get3A_519 = arith.constant 0 : i32
        %get3A_520 = arith.index_cast %get3A_519 : i32 to index
        %get3A_521 = arith.index_cast %add3A_518 : i32 to index
        %get3A_522 = arith.constant 0 : index
        %get3A_523 = tpu.vector_load %arg6[%get3A_520, %get3A_521, %get3A_522] {strides = array<i32>} : memref<2x400x64xf32, #tpu.memory_space<vmem>>, vector<16xf32>,
        %add3A_524 = arith.addf %add3A_492, %get3A_523 : vector<16xf32>
        %add3A_525 = arith.constant 7 : i32
        %add3A_526 = arith.addi %add3A_293, %add3A_525 : i32
        %get3A_527 = arith.constant 0 : i32
        %get3A_528 = arith.index_cast %get3A_527 : i32 to index
        %get3A_529 = arith.index_cast %add3A_526 : i32 to index
        %get3A_530 = arith.constant 16 : index
        %get3A_531 = tpu.vector_load %arg6[%get3A_528, %get3A_529, %get3A_530] {strides = array<i32>} : memref<2x400x64xf32, #tpu.memory_space<vmem>>, vector<16xf32>,
        %add3A_532 = arith.addf %add3A_500, %get3A_531 : vector<16xf32>
        %add3A_533 = arith.constant 7 : i32
        %add3A_534 = arith.addi %add3A_293, %add3A_533 : i32
        %get3A_535 = arith.constant 0 : i32
        %get3A_536 = arith.index_cast %get3A_535 : i32 to index
        %get3A_537 = arith.index_cast %add3A_534 : i32 to index
        %get3A_538 = arith.constant 32 : index
        %get3A_539 = tpu.vector_load %arg6[%get3A_536, %get3A_537, %get3A_538] {strides = array<i32>} : memref<2x400x64xf32, #tpu.memory_space<vmem>>, vector<16xf32>,
        %add3A_540 = arith.addf %add3A_508, %get3A_539 : vector<16xf32>
        %add3A_541 = arith.constant 7 : i32
        %add3A_542 = arith.addi %add3A_293, %add3A_541 : i32
        %get3A_543 = arith.constant 0 : i32
        %get3A_544 = arith.index_cast %get3A_543 : i32 to index
        %get3A_545 = arith.index_cast %add3A_542 : i32 to index
        %get3A_546 = arith.constant 48 : index
        %get3A_547 = tpu.vector_load %arg6[%get3A_544, %get3A_545, %get3A_546] {strides = array<i32>} : memref<2x400x64xf32, #tpu.memory_space<vmem>>, vector<16xf32>,
        %add3A_548 = arith.addf %add3A_516, %get3A_547 : vector<16xf32>
        scf.yield %add3A_524, %add3A_532, %add3A_540, %add3A_548 : vector<16xf32>, vector<16xf32>, vector<16xf32>, vector<16xf32>
      }
      %scan3A_163 = arith.constant 25 : i32
      %mul3A_164 = arith.constant 2 : i32
      %mul3A_165 = arith.muli %mul3A_51, %mul3A_164 : i32
      %add3A_166 = arith.constant 1 : i32
      %add3A_167 = arith.addi %mul3A_165, %add3A_166 : i32
      %mul3A_168 = arith.constant 5.000000e-03 : f32
      %mul3A_169 = vector.broadcast %mul3A_168 : f32 to vector<16xf32>
      %mul3A_170 = arith.mulf %scan3A_162#0, %mul3A_169 : vector<16xf32>
      %swap3A_171 = arith.index_cast %add3A_167 : i32 to index
      %swap3A_172 = arith.constant 0 : index
      %swap3A_173 = tpu.vector_load %arg7[%swap3A_171, %swap3A_172] {strides = array<i32>} : memref<128x64xf32, #tpu.memory_space<vmem>>, vector<16xf32>,
      tpu.vector_store %arg7[%swap3A_171, %swap3A_172], %mul3A_170 {strides = array<i32>} : memref<128x64xf32, #tpu.memory_space<vmem>>, vector<16xf32>,
      %mul3A_174 = arith.constant 5.000000e-03 : f32
      %mul3A_175 = vector.broadcast %mul3A_174 : f32 to vector<16xf32>
      %mul3A_176 = arith.mulf %scan3A_162#1, %mul3A_175 : vector<16xf32>
      %swap3A_177 = arith.index_cast %add3A_167 : i32 to index
      %swap3A_178 = arith.constant 16 : index
      %swap3A_179 = tpu.vector_load %arg7[%swap3A_177, %swap3A_178] {strides = array<i32>} : memref<128x64xf32, #tpu.memory_space<vmem>>, vector<16xf32>,
      tpu.vector_store %arg7[%swap3A_177, %swap3A_178], %mul3A_176 {strides = array<i32>} : memref<128x64xf32, #tpu.memory_space<vmem>>, vector<16xf32>,
      %mul3A_180 = arith.constant 5.000000e-03 : f32
      %mul3A_181 = vector.broadcast %mul3A_180 : f32 to vector<16xf32>
      %mul3A_182 = arith.mulf %scan3A_162#2, %mul3A_181 : vector<16xf32>
      %swap3A_183 = arith.index_cast %add3A_167 : i32 to index
      %swap3A_184 = arith.constant 32 : index
      %swap3A_185 = tpu.vector_load %arg7[%swap3A_183, %swap3A_184] {strides = array<i32>} : memref<128x64xf32, #tpu.memory_space<vmem>>, vector<16xf32>,
      tpu.vector_store %arg7[%swap3A_183, %swap3A_184], %mul3A_182 {strides = array<i32>} : memref<128x64xf32, #tpu.memory_space<vmem>>, vector<16xf32>,
      %mul3A_186 = arith.constant 5.000000e-03 : f32
      %mul3A_187 = vector.broadcast %mul3A_186 : f32 to vector<16xf32>
      %mul3A_188 = arith.mulf %scan3A_162#3, %mul3A_187 : vector<16xf32>
      %swap3A_189 = arith.index_cast %add3A_167 : i32 to index
      %swap3A_190 = arith.constant 48 : index
      %swap3A_191 = tpu.vector_load %arg7[%swap3A_189, %swap3A_190] {strides = array<i32>} : memref<128x64xf32, #tpu.memory_space<vmem>>, vector<16xf32>,
      tpu.vector_store %arg7[%swap3A_189, %swap3A_190], %mul3A_188 {strides = array<i32>} : memref<128x64xf32, #tpu.memory_space<vmem>>, vector<16xf32>,
      %add3A_192 = arith.constant 2 : i32
      %add3A_193 = arith.addi %mul3A_51, %add3A_192 : i32
      %lt3A = arith.constant 64 : i32
      %lt3A_194 = arith.cmpi slt, %add3A_193, %lt3A : i32
      %convert_element_type3A = arith.extui %lt3A_194 : i1 to i32
      %cond3A = arith.constant 0 : i32
      %cond3A_195 = arith.cmpi ne, %convert_element_type3A, %cond3A : i32
      scf.if %cond3A_195 {
        %add3A_285 = arith.constant 2 : i32
        %add3A_286 = arith.addi %mul3A_51, %add3A_285 : i32
        %mul3A_287 = arith.constant 400 : i32
        %mul3A_288 = arith.muli %add3A_286, %mul3A_287 : i32
        %add3A_289 = arith.constant 0 : i32
        %add3A_290 = arith.addi %mul3A_288, %add3A_289 : i32
        %add3A_291 = arith.constant 0 : i32
        %add3A_292 = arith.addi %add3A_290, %add3A_291 : i32
        %dma_start3A_293 = arith.constant 0 : i32
        %dma_start3A_294 = arith.constant 0 : i32
        %dma_start3A_295 = arith.constant 0 : i32
        %dma_start3A_296 = tpu.memref_slice %arg6[%dma_start3A_293, %dma_start3A_294, %dma_start3A_295] : memref<2x400x64xf32, #tpu.memory_space<vmem>> -> memref<1x128x64xf32, #tpu.memory_space<vmem>>
        %dma_start3A_297 = tpu.memref_squeeze %dma_start3A_296 : memref<1x128x64xf32, #tpu.memory_space<vmem>> -> memref<128x64xf32, #tpu.memory_space<vmem>>
        %dma_start3A_298 = tpu.memref_slice %arg5[%add3A_292] : memref<25600xi32, #tpu.memory_space<vmem>> -> memref<128xi32, #tpu.memory_space<vmem>>
        %dma_start3A_299 = arith.constant 0 : i32
        %dma_start3A_300 = arith.constant 0 : i32
        %dma_start3A_301 = tpu.memref_slice %arg3[%dma_start3A_299, %dma_start3A_300] : memref<2000000x64xf32, #tpu.memory_space<hbm>> -> memref<2000000x64xf32, #tpu.memory_space<hbm>>
        tpu.enqueue_indirect_dma source(%dma_start3A_301 : memref<2000000x64xf32, #tpu.memory_space<hbm>>) target(%dma_start3A_297 : memref<128x64xf32, #tpu.memory_space<vmem>>) offsets(%dma_start3A_298 : memref<128xi32, #tpu.memory_space<vmem>>) semaphore(%arg8 : memref<!tpu.dma_semaphore, #tpu.memory_space<semaphore_mem>>)
        %add3A_302 = arith.constant 0 : i32
        %add3A_303 = arith.addi %mul3A_288, %add3A_302 : i32
        %add3A_304 = arith.constant 128 : i32
        %add3A_305 = arith.addi %add3A_303, %add3A_304 : i32
        %dma_start3A_306 = arith.constant 0 : i32
        %dma_start3A_307 = arith.constant 128 : i32
        %dma_start3A_308 = arith.constant 0 : i32
        %dma_start3A_309 = tpu.memref_slice %arg6[%dma_start3A_306, %dma_start3A_307, %dma_start3A_308] : memref<2x400x64xf32, #tpu.memory_space<vmem>> -> memref<1x72x64xf32, #tpu.memory_space<vmem>>
        %dma_start3A_310 = tpu.memref_squeeze %dma_start3A_309 : memref<1x72x64xf32, #tpu.memory_space<vmem>> -> memref<72x64xf32, #tpu.memory_space<vmem>>
        %dma_start3A_311 = tpu.memref_slice %arg5[%add3A_305] : memref<25600xi32, #tpu.memory_space<vmem>> -> memref<72xi32, #tpu.memory_space<vmem>>
        %dma_start3A_312 = arith.constant 0 : i32
        %dma_start3A_313 = arith.constant 0 : i32
        %dma_start3A_314 = tpu.memref_slice %arg3[%dma_start3A_312, %dma_start3A_313] : memref<2000000x64xf32, #tpu.memory_space<hbm>> -> memref<2000000x64xf32, #tpu.memory_space<hbm>>
        tpu.enqueue_indirect_dma source(%dma_start3A_314 : memref<2000000x64xf32, #tpu.memory_space<hbm>>) target(%dma_start3A_310 : memref<72x64xf32, #tpu.memory_space<vmem>>) offsets(%dma_start3A_311 : memref<72xi32, #tpu.memory_space<vmem>>) semaphore(%arg8 : memref<!tpu.dma_semaphore, #tpu.memory_space<semaphore_mem>>)
        %add3A_315 = arith.constant 200 : i32
        %add3A_316 = arith.addi %mul3A_288, %add3A_315 : i32
        %add3A_317 = arith.constant 0 : i32
        %add3A_318 = arith.addi %add3A_316, %add3A_317 : i32
        %dma_start3A_319 = arith.constant 0 : i32
        %dma_start3A_320 = arith.constant 200 : i32
        %dma_start3A_321 = arith.constant 0 : i32
        %dma_start3A_322 = tpu.memref_slice %arg6[%dma_start3A_319, %dma_start3A_320, %dma_start3A_321] : memref<2x400x64xf32, #tpu.memory_space<vmem>> -> memref<1x128x64xf32, #tpu.memory_space<vmem>>
        %dma_start3A_323 = tpu.memref_squeeze %dma_start3A_322 : memref<1x128x64xf32, #tpu.memory_space<vmem>> -> memref<128x64xf32, #tpu.memory_space<vmem>>
        %dma_start3A_324 = tpu.memref_slice %arg5[%add3A_318] : memref<25600xi32, #tpu.memory_space<vmem>> -> memref<128xi32, #tpu.memory_space<vmem>>
        %dma_start3A_325 = arith.constant 0 : i32
        %dma_start3A_326 = arith.constant 0 : i32
        %dma_start3A_327 = tpu.memref_slice %arg3[%dma_start3A_325, %dma_start3A_326] : memref<2000000x64xf32, #tpu.memory_space<hbm>> -> memref<2000000x64xf32, #tpu.memory_space<hbm>>
        tpu.enqueue_indirect_dma source(%dma_start3A_327 : memref<2000000x64xf32, #tpu.memory_space<hbm>>) target(%dma_start3A_323 : memref<128x64xf32, #tpu.memory_space<vmem>>) offsets(%dma_start3A_324 : memref<128xi32, #tpu.memory_space<vmem>>) semaphore(%arg8 : memref<!tpu.dma_semaphore, #tpu.memory_space<semaphore_mem>>)
        %add3A_328 = arith.constant 200 : i32
        %add3A_329 = arith.addi %mul3A_288, %add3A_328 : i32
        %add3A_330 = arith.constant 128 : i32
        %add3A_331 = arith.addi %add3A_329, %add3A_330 : i32
        %dma_start3A_332 = arith.constant 0 : i32
        %dma_start3A_333 = arith.constant 328 : i32
        %dma_start3A_334 = arith.constant 0 : i32
        %dma_start3A_335 = tpu.memref_slice %arg6[%dma_start3A_332, %dma_start3A_333, %dma_start3A_334] : memref<2x400x64xf32, #tpu.memory_space<vmem>> -> memref<1x72x64xf32, #tpu.memory_space<vmem>>
        %dma_start3A_336 = tpu.memref_squeeze %dma_start3A_335 : memref<1x72x64xf32, #tpu.memory_space<vmem>> -> memref<72x64xf32, #tpu.memory_space<vmem>>
        %dma_start3A_337 = tpu.memref_slice %arg5[%add3A_331] : memref<25600xi32, #tpu.memory_space<vmem>> -> memref<72xi32, #tpu.memory_space<vmem>>
        %dma_start3A_338 = arith.constant 0 : i32
        %dma_start3A_339 = arith.constant 0 : i32
        %dma_start3A_340 = tpu.memref_slice %arg3[%dma_start3A_338, %dma_start3A_339] : memref<2000000x64xf32, #tpu.memory_space<hbm>> -> memref<2000000x64xf32, #tpu.memory_space<hbm>>
        tpu.enqueue_indirect_dma source(%dma_start3A_340 : memref<2000000x64xf32, #tpu.memory_space<hbm>>) target(%dma_start3A_336 : memref<72x64xf32, #tpu.memory_space<vmem>>) offsets(%dma_start3A_337 : memref<72xi32, #tpu.memory_space<vmem>>) semaphore(%arg8 : memref<!tpu.dma_semaphore, #tpu.memory_space<semaphore_mem>>)
      } else {
      }
      %dma_wait3A_196 = arith.constant 1 : i32
      %dma_wait3A_197 = arith.constant 0 : i32
      %dma_wait3A_198 = arith.constant 0 : i32
      %dma_wait3A_199 = tpu.memref_slice %arg6[%dma_wait3A_196, %dma_wait3A_197, %dma_wait3A_198] : memref<2x400x64xf32, #tpu.memory_space<vmem>> -> memref<1x400x64xf32, #tpu.memory_space<vmem>>
      %dma_wait3A_200 = tpu.memref_squeeze %dma_wait3A_199 : memref<1x400x64xf32, #tpu.memory_space<vmem>> -> memref<400x64xf32, #tpu.memory_space<vmem>>
      %dma_wait3A_201 = arith.constant 0 : i32
      %dma_wait3A_202 = arith.constant 0 : i32
      %dma_wait3A_203 = tpu.memref_slice %arg3[%dma_wait3A_201, %dma_wait3A_202] : memref<2000000x64xf32, #tpu.memory_space<hbm>> -> memref<400x64xf32, #tpu.memory_space<hbm>>
      %dma_wait3A_204 = arith.constant 0 : i32
      %dma_wait3A_205 = arith.constant 0 : i32
      %dma_wait3A_206 = tpu.memref_slice %arg6[%dma_wait3A_196, %dma_wait3A_204, %dma_wait3A_205] : memref<2x400x64xf32, #tpu.memory_space<vmem>> -> memref<1x400x64xf32, #tpu.memory_space<vmem>>
      %dma_wait3A_207 = tpu.memref_squeeze %dma_wait3A_206 : memref<1x400x64xf32, #tpu.memory_space<vmem>> -> memref<400x64xf32, #tpu.memory_space<vmem>>
      %dma_wait3A_208 = arith.constant 0 : i32
      %dma_wait3A_209 = arith.constant 0 : i32
      %dma_wait3A_210 = tpu.memref_slice %arg3[%dma_wait3A_208, %dma_wait3A_209] : memref<2000000x64xf32, #tpu.memory_space<hbm>> -> memref<400x64xf32, #tpu.memory_space<hbm>>
      tpu.wait_dma2 semaphore(%arg9 : memref<!tpu.dma_semaphore, #tpu.memory_space<semaphore_mem>>) src(%dma_wait3A_210 : memref<400x64xf32, #tpu.memory_space<hbm>>) dst(%dma_wait3A_207 : memref<400x64xf32, #tpu.memory_space<vmem>>)
      %add3A_211 = arith.constant 1 : i32
      %add3A_212 = arith.addi %mul3A_51, %add3A_211 : i32
      %broadcast_in_dim3A_213 = arith.constant 0.000000e+00 : f32
      %broadcast_in_dim3A_214 = vector.broadcast %broadcast_in_dim3A_213 : f32 to vector<16xf32>
      %scan3A_215 = arith.constant 0 : i32
      %scan3A_216 = arith.constant 25 : i32
      %scan3A_217 = arith.addi %scan3A_215, %scan3A_216 : i32
      %scan3A_218 = arith.constant 1 : i32
      %scan3A_219:4 = scf.for %scan3A_285 = %scan3A_215 to %scan3A_217 step %scan3A_218 iter_args(%scan3A_286 = %broadcast_in_dim3A_214, %scan3A_287 = %broadcast_in_dim3A_214, %scan3A_288 = %broadcast_in_dim3A_214, %scan3A_289 = %broadcast_in_dim3A_214) -> (vector<16xf32>, vector<16xf32>, vector<16xf32>, vector<16xf32>)  : i32 {
        %mul3A_290 = arith.constant 8 : i32
        %mul3A_291 = arith.muli %scan3A_285, %mul3A_290 : i32
        %add3A_292 = arith.constant 0 : i32
        %add3A_293 = arith.addi %add3A_292, %mul3A_291 : i32
        %add3A_294 = arith.constant 0 : i32
        %add3A_295 = arith.addi %add3A_293, %add3A_294 : i32
        %get3A = arith.constant 1 : i32
        %get3A_296 = arith.index_cast %get3A : i32 to index
        %get3A_297 = arith.index_cast %add3A_295 : i32 to index
        %get3A_298 = arith.constant 0 : index
        %get3A_299 = tpu.vector_load %arg6[%get3A_296, %get3A_297, %get3A_298] {strides = array<i32>} : memref<2x400x64xf32, #tpu.memory_space<vmem>>, vector<16xf32>,
        %add3A_300 = arith.addf %scan3A_286, %get3A_299 : vector<16xf32>
        %add3A_301 = arith.constant 0 : i32
        %add3A_302 = arith.addi %add3A_293, %add3A_301 : i32
        %get3A_303 = arith.constant 1 : i32
        %get3A_304 = arith.index_cast %get3A_303 : i32 to index
        %get3A_305 = arith.index_cast %add3A_302 : i32 to index
        %get3A_306 = arith.constant 16 : index
        %get3A_307 = tpu.vector_load %arg6[%get3A_304, %get3A_305, %get3A_306] {strides = array<i32>} : memref<2x400x64xf32, #tpu.memory_space<vmem>>, vector<16xf32>,
        %add3A_308 = arith.addf %scan3A_287, %get3A_307 : vector<16xf32>
        %add3A_309 = arith.constant 0 : i32
        %add3A_310 = arith.addi %add3A_293, %add3A_309 : i32
        %get3A_311 = arith.constant 1 : i32
        %get3A_312 = arith.index_cast %get3A_311 : i32 to index
        %get3A_313 = arith.index_cast %add3A_310 : i32 to index
        %get3A_314 = arith.constant 32 : index
        %get3A_315 = tpu.vector_load %arg6[%get3A_312, %get3A_313, %get3A_314] {strides = array<i32>} : memref<2x400x64xf32, #tpu.memory_space<vmem>>, vector<16xf32>,
        %add3A_316 = arith.addf %scan3A_288, %get3A_315 : vector<16xf32>
        %add3A_317 = arith.constant 0 : i32
        %add3A_318 = arith.addi %add3A_293, %add3A_317 : i32
        %get3A_319 = arith.constant 1 : i32
        %get3A_320 = arith.index_cast %get3A_319 : i32 to index
        %get3A_321 = arith.index_cast %add3A_318 : i32 to index
        %get3A_322 = arith.constant 48 : index
        %get3A_323 = tpu.vector_load %arg6[%get3A_320, %get3A_321, %get3A_322] {strides = array<i32>} : memref<2x400x64xf32, #tpu.memory_space<vmem>>, vector<16xf32>,
        %add3A_324 = arith.addf %scan3A_289, %get3A_323 : vector<16xf32>
        %add3A_325 = arith.constant 1 : i32
        %add3A_326 = arith.addi %add3A_293, %add3A_325 : i32
        %get3A_327 = arith.constant 1 : i32
        %get3A_328 = arith.index_cast %get3A_327 : i32 to index
        %get3A_329 = arith.index_cast %add3A_326 : i32 to index
        %get3A_330 = arith.constant 0 : index
        %get3A_331 = tpu.vector_load %arg6[%get3A_328, %get3A_329, %get3A_330] {strides = array<i32>} : memref<2x400x64xf32, #tpu.memory_space<vmem>>, vector<16xf32>,
        %add3A_332 = arith.addf %add3A_300, %get3A_331 : vector<16xf32>
        %add3A_333 = arith.constant 1 : i32
        %add3A_334 = arith.addi %add3A_293, %add3A_333 : i32
        %get3A_335 = arith.constant 1 : i32
        %get3A_336 = arith.index_cast %get3A_335 : i32 to index
        %get3A_337 = arith.index_cast %add3A_334 : i32 to index
        %get3A_338 = arith.constant 16 : index
        %get3A_339 = tpu.vector_load %arg6[%get3A_336, %get3A_337, %get3A_338] {strides = array<i32>} : memref<2x400x64xf32, #tpu.memory_space<vmem>>, vector<16xf32>,
        %add3A_340 = arith.addf %add3A_308, %get3A_339 : vector<16xf32>
        %add3A_341 = arith.constant 1 : i32
        %add3A_342 = arith.addi %add3A_293, %add3A_341 : i32
        %get3A_343 = arith.constant 1 : i32
        %get3A_344 = arith.index_cast %get3A_343 : i32 to index
        %get3A_345 = arith.index_cast %add3A_342 : i32 to index
        %get3A_346 = arith.constant 32 : index
        %get3A_347 = tpu.vector_load %arg6[%get3A_344, %get3A_345, %get3A_346] {strides = array<i32>} : memref<2x400x64xf32, #tpu.memory_space<vmem>>, vector<16xf32>,
        %add3A_348 = arith.addf %add3A_316, %get3A_347 : vector<16xf32>
        %add3A_349 = arith.constant 1 : i32
        %add3A_350 = arith.addi %add3A_293, %add3A_349 : i32
        %get3A_351 = arith.constant 1 : i32
        %get3A_352 = arith.index_cast %get3A_351 : i32 to index
        %get3A_353 = arith.index_cast %add3A_350 : i32 to index
        %get3A_354 = arith.constant 48 : index
        %get3A_355 = tpu.vector_load %arg6[%get3A_352, %get3A_353, %get3A_354] {strides = array<i32>} : memref<2x400x64xf32, #tpu.memory_space<vmem>>, vector<16xf32>,
        %add3A_356 = arith.addf %add3A_324, %get3A_355 : vector<16xf32>
        %add3A_357 = arith.constant 2 : i32
        %add3A_358 = arith.addi %add3A_293, %add3A_357 : i32
        %get3A_359 = arith.constant 1 : i32
        %get3A_360 = arith.index_cast %get3A_359 : i32 to index
        %get3A_361 = arith.index_cast %add3A_358 : i32 to index
        %get3A_362 = arith.constant 0 : index
        %get3A_363 = tpu.vector_load %arg6[%get3A_360, %get3A_361, %get3A_362] {strides = array<i32>} : memref<2x400x64xf32, #tpu.memory_space<vmem>>, vector<16xf32>,
        %add3A_364 = arith.addf %add3A_332, %get3A_363 : vector<16xf32>
        %add3A_365 = arith.constant 2 : i32
        %add3A_366 = arith.addi %add3A_293, %add3A_365 : i32
        %get3A_367 = arith.constant 1 : i32
        %get3A_368 = arith.index_cast %get3A_367 : i32 to index
        %get3A_369 = arith.index_cast %add3A_366 : i32 to index
        %get3A_370 = arith.constant 16 : index
        %get3A_371 = tpu.vector_load %arg6[%get3A_368, %get3A_369, %get3A_370] {strides = array<i32>} : memref<2x400x64xf32, #tpu.memory_space<vmem>>, vector<16xf32>,
        %add3A_372 = arith.addf %add3A_340, %get3A_371 : vector<16xf32>
        %add3A_373 = arith.constant 2 : i32
        %add3A_374 = arith.addi %add3A_293, %add3A_373 : i32
        %get3A_375 = arith.constant 1 : i32
        %get3A_376 = arith.index_cast %get3A_375 : i32 to index
        %get3A_377 = arith.index_cast %add3A_374 : i32 to index
        %get3A_378 = arith.constant 32 : index
        %get3A_379 = tpu.vector_load %arg6[%get3A_376, %get3A_377, %get3A_378] {strides = array<i32>} : memref<2x400x64xf32, #tpu.memory_space<vmem>>, vector<16xf32>,
        %add3A_380 = arith.addf %add3A_348, %get3A_379 : vector<16xf32>
        %add3A_381 = arith.constant 2 : i32
        %add3A_382 = arith.addi %add3A_293, %add3A_381 : i32
        %get3A_383 = arith.constant 1 : i32
        %get3A_384 = arith.index_cast %get3A_383 : i32 to index
        %get3A_385 = arith.index_cast %add3A_382 : i32 to index
        %get3A_386 = arith.constant 48 : index
        %get3A_387 = tpu.vector_load %arg6[%get3A_384, %get3A_385, %get3A_386] {strides = array<i32>} : memref<2x400x64xf32, #tpu.memory_space<vmem>>, vector<16xf32>,
        %add3A_388 = arith.addf %add3A_356, %get3A_387 : vector<16xf32>
        %add3A_389 = arith.constant 3 : i32
        %add3A_390 = arith.addi %add3A_293, %add3A_389 : i32
        %get3A_391 = arith.constant 1 : i32
        %get3A_392 = arith.index_cast %get3A_391 : i32 to index
        %get3A_393 = arith.index_cast %add3A_390 : i32 to index
        %get3A_394 = arith.constant 0 : index
        %get3A_395 = tpu.vector_load %arg6[%get3A_392, %get3A_393, %get3A_394] {strides = array<i32>} : memref<2x400x64xf32, #tpu.memory_space<vmem>>, vector<16xf32>,
        %add3A_396 = arith.addf %add3A_364, %get3A_395 : vector<16xf32>
        %add3A_397 = arith.constant 3 : i32
        %add3A_398 = arith.addi %add3A_293, %add3A_397 : i32
        %get3A_399 = arith.constant 1 : i32
        %get3A_400 = arith.index_cast %get3A_399 : i32 to index
        %get3A_401 = arith.index_cast %add3A_398 : i32 to index
        %get3A_402 = arith.constant 16 : index
        %get3A_403 = tpu.vector_load %arg6[%get3A_400, %get3A_401, %get3A_402] {strides = array<i32>} : memref<2x400x64xf32, #tpu.memory_space<vmem>>, vector<16xf32>,
        %add3A_404 = arith.addf %add3A_372, %get3A_403 : vector<16xf32>
        %add3A_405 = arith.constant 3 : i32
        %add3A_406 = arith.addi %add3A_293, %add3A_405 : i32
        %get3A_407 = arith.constant 1 : i32
        %get3A_408 = arith.index_cast %get3A_407 : i32 to index
        %get3A_409 = arith.index_cast %add3A_406 : i32 to index
        %get3A_410 = arith.constant 32 : index
        %get3A_411 = tpu.vector_load %arg6[%get3A_408, %get3A_409, %get3A_410] {strides = array<i32>} : memref<2x400x64xf32, #tpu.memory_space<vmem>>, vector<16xf32>,
        %add3A_412 = arith.addf %add3A_380, %get3A_411 : vector<16xf32>
        %add3A_413 = arith.constant 3 : i32
        %add3A_414 = arith.addi %add3A_293, %add3A_413 : i32
        %get3A_415 = arith.constant 1 : i32
        %get3A_416 = arith.index_cast %get3A_415 : i32 to index
        %get3A_417 = arith.index_cast %add3A_414 : i32 to index
        %get3A_418 = arith.constant 48 : index
        %get3A_419 = tpu.vector_load %arg6[%get3A_416, %get3A_417, %get3A_418] {strides = array<i32>} : memref<2x400x64xf32, #tpu.memory_space<vmem>>, vector<16xf32>,
        %add3A_420 = arith.addf %add3A_388, %get3A_419 : vector<16xf32>
        %add3A_421 = arith.constant 4 : i32
        %add3A_422 = arith.addi %add3A_293, %add3A_421 : i32
        %get3A_423 = arith.constant 1 : i32
        %get3A_424 = arith.index_cast %get3A_423 : i32 to index
        %get3A_425 = arith.index_cast %add3A_422 : i32 to index
        %get3A_426 = arith.constant 0 : index
        %get3A_427 = tpu.vector_load %arg6[%get3A_424, %get3A_425, %get3A_426] {strides = array<i32>} : memref<2x400x64xf32, #tpu.memory_space<vmem>>, vector<16xf32>,
        %add3A_428 = arith.addf %add3A_396, %get3A_427 : vector<16xf32>
        %add3A_429 = arith.constant 4 : i32
        %add3A_430 = arith.addi %add3A_293, %add3A_429 : i32
        %get3A_431 = arith.constant 1 : i32
        %get3A_432 = arith.index_cast %get3A_431 : i32 to index
        %get3A_433 = arith.index_cast %add3A_430 : i32 to index
        %get3A_434 = arith.constant 16 : index
        %get3A_435 = tpu.vector_load %arg6[%get3A_432, %get3A_433, %get3A_434] {strides = array<i32>} : memref<2x400x64xf32, #tpu.memory_space<vmem>>, vector<16xf32>,
        %add3A_436 = arith.addf %add3A_404, %get3A_435 : vector<16xf32>
        %add3A_437 = arith.constant 4 : i32
        %add3A_438 = arith.addi %add3A_293, %add3A_437 : i32
        %get3A_439 = arith.constant 1 : i32
        %get3A_440 = arith.index_cast %get3A_439 : i32 to index
        %get3A_441 = arith.index_cast %add3A_438 : i32 to index
        %get3A_442 = arith.constant 32 : index
        %get3A_443 = tpu.vector_load %arg6[%get3A_440, %get3A_441, %get3A_442] {strides = array<i32>} : memref<2x400x64xf32, #tpu.memory_space<vmem>>, vector<16xf32>,
        %add3A_444 = arith.addf %add3A_412, %get3A_443 : vector<16xf32>
        %add3A_445 = arith.constant 4 : i32
        %add3A_446 = arith.addi %add3A_293, %add3A_445 : i32
        %get3A_447 = arith.constant 1 : i32
        %get3A_448 = arith.index_cast %get3A_447 : i32 to index
        %get3A_449 = arith.index_cast %add3A_446 : i32 to index
        %get3A_450 = arith.constant 48 : index
        %get3A_451 = tpu.vector_load %arg6[%get3A_448, %get3A_449, %get3A_450] {strides = array<i32>} : memref<2x400x64xf32, #tpu.memory_space<vmem>>, vector<16xf32>,
        %add3A_452 = arith.addf %add3A_420, %get3A_451 : vector<16xf32>
        %add3A_453 = arith.constant 5 : i32
        %add3A_454 = arith.addi %add3A_293, %add3A_453 : i32
        %get3A_455 = arith.constant 1 : i32
        %get3A_456 = arith.index_cast %get3A_455 : i32 to index
        %get3A_457 = arith.index_cast %add3A_454 : i32 to index
        %get3A_458 = arith.constant 0 : index
        %get3A_459 = tpu.vector_load %arg6[%get3A_456, %get3A_457, %get3A_458] {strides = array<i32>} : memref<2x400x64xf32, #tpu.memory_space<vmem>>, vector<16xf32>,
        %add3A_460 = arith.addf %add3A_428, %get3A_459 : vector<16xf32>
        %add3A_461 = arith.constant 5 : i32
        %add3A_462 = arith.addi %add3A_293, %add3A_461 : i32
        %get3A_463 = arith.constant 1 : i32
        %get3A_464 = arith.index_cast %get3A_463 : i32 to index
        %get3A_465 = arith.index_cast %add3A_462 : i32 to index
        %get3A_466 = arith.constant 16 : index
        %get3A_467 = tpu.vector_load %arg6[%get3A_464, %get3A_465, %get3A_466] {strides = array<i32>} : memref<2x400x64xf32, #tpu.memory_space<vmem>>, vector<16xf32>,
        %add3A_468 = arith.addf %add3A_436, %get3A_467 : vector<16xf32>
        %add3A_469 = arith.constant 5 : i32
        %add3A_470 = arith.addi %add3A_293, %add3A_469 : i32
        %get3A_471 = arith.constant 1 : i32
        %get3A_472 = arith.index_cast %get3A_471 : i32 to index
        %get3A_473 = arith.index_cast %add3A_470 : i32 to index
        %get3A_474 = arith.constant 32 : index
        %get3A_475 = tpu.vector_load %arg6[%get3A_472, %get3A_473, %get3A_474] {strides = array<i32>} : memref<2x400x64xf32, #tpu.memory_space<vmem>>, vector<16xf32>,
        %add3A_476 = arith.addf %add3A_444, %get3A_475 : vector<16xf32>
        %add3A_477 = arith.constant 5 : i32
        %add3A_478 = arith.addi %add3A_293, %add3A_477 : i32
        %get3A_479 = arith.constant 1 : i32
        %get3A_480 = arith.index_cast %get3A_479 : i32 to index
        %get3A_481 = arith.index_cast %add3A_478 : i32 to index
        %get3A_482 = arith.constant 48 : index
        %get3A_483 = tpu.vector_load %arg6[%get3A_480, %get3A_481, %get3A_482] {strides = array<i32>} : memref<2x400x64xf32, #tpu.memory_space<vmem>>, vector<16xf32>,
        %add3A_484 = arith.addf %add3A_452, %get3A_483 : vector<16xf32>
        %add3A_485 = arith.constant 6 : i32
        %add3A_486 = arith.addi %add3A_293, %add3A_485 : i32
        %get3A_487 = arith.constant 1 : i32
        %get3A_488 = arith.index_cast %get3A_487 : i32 to index
        %get3A_489 = arith.index_cast %add3A_486 : i32 to index
        %get3A_490 = arith.constant 0 : index
        %get3A_491 = tpu.vector_load %arg6[%get3A_488, %get3A_489, %get3A_490] {strides = array<i32>} : memref<2x400x64xf32, #tpu.memory_space<vmem>>, vector<16xf32>,
        %add3A_492 = arith.addf %add3A_460, %get3A_491 : vector<16xf32>
        %add3A_493 = arith.constant 6 : i32
        %add3A_494 = arith.addi %add3A_293, %add3A_493 : i32
        %get3A_495 = arith.constant 1 : i32
        %get3A_496 = arith.index_cast %get3A_495 : i32 to index
        %get3A_497 = arith.index_cast %add3A_494 : i32 to index
        %get3A_498 = arith.constant 16 : index
        %get3A_499 = tpu.vector_load %arg6[%get3A_496, %get3A_497, %get3A_498] {strides = array<i32>} : memref<2x400x64xf32, #tpu.memory_space<vmem>>, vector<16xf32>,
        %add3A_500 = arith.addf %add3A_468, %get3A_499 : vector<16xf32>
        %add3A_501 = arith.constant 6 : i32
        %add3A_502 = arith.addi %add3A_293, %add3A_501 : i32
        %get3A_503 = arith.constant 1 : i32
        %get3A_504 = arith.index_cast %get3A_503 : i32 to index
        %get3A_505 = arith.index_cast %add3A_502 : i32 to index
        %get3A_506 = arith.constant 32 : index
        %get3A_507 = tpu.vector_load %arg6[%get3A_504, %get3A_505, %get3A_506] {strides = array<i32>} : memref<2x400x64xf32, #tpu.memory_space<vmem>>, vector<16xf32>,
        %add3A_508 = arith.addf %add3A_476, %get3A_507 : vector<16xf32>
        %add3A_509 = arith.constant 6 : i32
        %add3A_510 = arith.addi %add3A_293, %add3A_509 : i32
        %get3A_511 = arith.constant 1 : i32
        %get3A_512 = arith.index_cast %get3A_511 : i32 to index
        %get3A_513 = arith.index_cast %add3A_510 : i32 to index
        %get3A_514 = arith.constant 48 : index
        %get3A_515 = tpu.vector_load %arg6[%get3A_512, %get3A_513, %get3A_514] {strides = array<i32>} : memref<2x400x64xf32, #tpu.memory_space<vmem>>, vector<16xf32>,
        %add3A_516 = arith.addf %add3A_484, %get3A_515 : vector<16xf32>
        %add3A_517 = arith.constant 7 : i32
        %add3A_518 = arith.addi %add3A_293, %add3A_517 : i32
        %get3A_519 = arith.constant 1 : i32
        %get3A_520 = arith.index_cast %get3A_519 : i32 to index
        %get3A_521 = arith.index_cast %add3A_518 : i32 to index
        %get3A_522 = arith.constant 0 : index
        %get3A_523 = tpu.vector_load %arg6[%get3A_520, %get3A_521, %get3A_522] {strides = array<i32>} : memref<2x400x64xf32, #tpu.memory_space<vmem>>, vector<16xf32>,
        %add3A_524 = arith.addf %add3A_492, %get3A_523 : vector<16xf32>
        %add3A_525 = arith.constant 7 : i32
        %add3A_526 = arith.addi %add3A_293, %add3A_525 : i32
        %get3A_527 = arith.constant 1 : i32
        %get3A_528 = arith.index_cast %get3A_527 : i32 to index
        %get3A_529 = arith.index_cast %add3A_526 : i32 to index
        %get3A_530 = arith.constant 16 : index
        %get3A_531 = tpu.vector_load %arg6[%get3A_528, %get3A_529, %get3A_530] {strides = array<i32>} : memref<2x400x64xf32, #tpu.memory_space<vmem>>, vector<16xf32>,
        %add3A_532 = arith.addf %add3A_500, %get3A_531 : vector<16xf32>
        %add3A_533 = arith.constant 7 : i32
        %add3A_534 = arith.addi %add3A_293, %add3A_533 : i32
        %get3A_535 = arith.constant 1 : i32
        %get3A_536 = arith.index_cast %get3A_535 : i32 to index
        %get3A_537 = arith.index_cast %add3A_534 : i32 to index
        %get3A_538 = arith.constant 32 : index
        %get3A_539 = tpu.vector_load %arg6[%get3A_536, %get3A_537, %get3A_538] {strides = array<i32>} : memref<2x400x64xf32, #tpu.memory_space<vmem>>, vector<16xf32>,
        %add3A_540 = arith.addf %add3A_508, %get3A_539 : vector<16xf32>
        %add3A_541 = arith.constant 7 : i32
        %add3A_542 = arith.addi %add3A_293, %add3A_541 : i32
        %get3A_543 = arith.constant 1 : i32
        %get3A_544 = arith.index_cast %get3A_543 : i32 to index
        %get3A_545 = arith.index_cast %add3A_542 : i32 to index
        %get3A_546 = arith.constant 48 : index
        %get3A_547 = tpu.vector_load %arg6[%get3A_544, %get3A_545, %get3A_546] {strides = array<i32>} : memref<2x400x64xf32, #tpu.memory_space<vmem>>, vector<16xf32>,
        %add3A_548 = arith.addf %add3A_516, %get3A_547 : vector<16xf32>
        scf.yield %add3A_524, %add3A_532, %add3A_540, %add3A_548 : vector<16xf32>, vector<16xf32>, vector<16xf32>, vector<16xf32>
      }
      %scan3A_220 = arith.constant 25 : i32
      %mul3A_221 = arith.constant 2 : i32
      %mul3A_222 = arith.muli %add3A_212, %mul3A_221 : i32
      %add3A_223 = arith.constant 0 : i32
      %add3A_224 = arith.addi %mul3A_222, %add3A_223 : i32
      %mul3A_225 = arith.constant 5.000000e-03 : f32
      %mul3A_226 = vector.broadcast %mul3A_225 : f32 to vector<16xf32>
      %mul3A_227 = arith.mulf %scan3A_219#0, %mul3A_226 : vector<16xf32>
      %swap3A_228 = arith.index_cast %add3A_224 : i32 to index
      %swap3A_229 = arith.constant 0 : index
      %swap3A_230 = tpu.vector_load %arg7[%swap3A_228, %swap3A_229] {strides = array<i32>} : memref<128x64xf32, #tpu.memory_space<vmem>>, vector<16xf32>,
      tpu.vector_store %arg7[%swap3A_228, %swap3A_229], %mul3A_227 {strides = array<i32>} : memref<128x64xf32, #tpu.memory_space<vmem>>, vector<16xf32>,
      %mul3A_231 = arith.constant 5.000000e-03 : f32
      %mul3A_232 = vector.broadcast %mul3A_231 : f32 to vector<16xf32>
      %mul3A_233 = arith.mulf %scan3A_219#1, %mul3A_232 : vector<16xf32>
      %swap3A_234 = arith.index_cast %add3A_224 : i32 to index
      %swap3A_235 = arith.constant 16 : index
      %swap3A_236 = tpu.vector_load %arg7[%swap3A_234, %swap3A_235] {strides = array<i32>} : memref<128x64xf32, #tpu.memory_space<vmem>>, vector<16xf32>,
      tpu.vector_store %arg7[%swap3A_234, %swap3A_235], %mul3A_233 {strides = array<i32>} : memref<128x64xf32, #tpu.memory_space<vmem>>, vector<16xf32>,
      %mul3A_237 = arith.constant 5.000000e-03 : f32
      %mul3A_238 = vector.broadcast %mul3A_237 : f32 to vector<16xf32>
      %mul3A_239 = arith.mulf %scan3A_219#2, %mul3A_238 : vector<16xf32>
      %swap3A_240 = arith.index_cast %add3A_224 : i32 to index
      %swap3A_241 = arith.constant 32 : index
      %swap3A_242 = tpu.vector_load %arg7[%swap3A_240, %swap3A_241] {strides = array<i32>} : memref<128x64xf32, #tpu.memory_space<vmem>>, vector<16xf32>,
      tpu.vector_store %arg7[%swap3A_240, %swap3A_241], %mul3A_239 {strides = array<i32>} : memref<128x64xf32, #tpu.memory_space<vmem>>, vector<16xf32>,
      %mul3A_243 = arith.constant 5.000000e-03 : f32
      %mul3A_244 = vector.broadcast %mul3A_243 : f32 to vector<16xf32>
      %mul3A_245 = arith.mulf %scan3A_219#3, %mul3A_244 : vector<16xf32>
      %swap3A_246 = arith.index_cast %add3A_224 : i32 to index
      %swap3A_247 = arith.constant 48 : index
      %swap3A_248 = tpu.vector_load %arg7[%swap3A_246, %swap3A_247] {strides = array<i32>} : memref<128x64xf32, #tpu.memory_space<vmem>>, vector<16xf32>,
      tpu.vector_store %arg7[%swap3A_246, %swap3A_247], %mul3A_245 {strides = array<i32>} : memref<128x64xf32, #tpu.memory_space<vmem>>, vector<16xf32>,
      %broadcast_in_dim3A_249 = arith.constant 0.000000e+00 : f32
      %broadcast_in_dim3A_250 = vector.broadcast %broadcast_in_dim3A_249 : f32 to vector<16xf32>
      %scan3A_251 = arith.constant 0 : i32
      %scan3A_252 = arith.constant 25 : i32
      %scan3A_253 = arith.addi %scan3A_251, %scan3A_252 : i32
      %scan3A_254 = arith.constant 1 : i32
      %scan3A_255:4 = scf.for %scan3A_285 = %scan3A_251 to %scan3A_253 step %scan3A_254 iter_args(%scan3A_286 = %broadcast_in_dim3A_250, %scan3A_287 = %broadcast_in_dim3A_250, %scan3A_288 = %broadcast_in_dim3A_250, %scan3A_289 = %broadcast_in_dim3A_250) -> (vector<16xf32>, vector<16xf32>, vector<16xf32>, vector<16xf32>)  : i32 {
        %mul3A_290 = arith.constant 8 : i32
        %mul3A_291 = arith.muli %scan3A_285, %mul3A_290 : i32
        %add3A_292 = arith.constant 200 : i32
        %add3A_293 = arith.addi %add3A_292, %mul3A_291 : i32
        %add3A_294 = arith.constant 0 : i32
        %add3A_295 = arith.addi %add3A_293, %add3A_294 : i32
        %get3A = arith.constant 1 : i32
        %get3A_296 = arith.index_cast %get3A : i32 to index
        %get3A_297 = arith.index_cast %add3A_295 : i32 to index
        %get3A_298 = arith.constant 0 : index
        %get3A_299 = tpu.vector_load %arg6[%get3A_296, %get3A_297, %get3A_298] {strides = array<i32>} : memref<2x400x64xf32, #tpu.memory_space<vmem>>, vector<16xf32>,
        %add3A_300 = arith.addf %scan3A_286, %get3A_299 : vector<16xf32>
        %add3A_301 = arith.constant 0 : i32
        %add3A_302 = arith.addi %add3A_293, %add3A_301 : i32
        %get3A_303 = arith.constant 1 : i32
        %get3A_304 = arith.index_cast %get3A_303 : i32 to index
        %get3A_305 = arith.index_cast %add3A_302 : i32 to index
        %get3A_306 = arith.constant 16 : index
        %get3A_307 = tpu.vector_load %arg6[%get3A_304, %get3A_305, %get3A_306] {strides = array<i32>} : memref<2x400x64xf32, #tpu.memory_space<vmem>>, vector<16xf32>,
        %add3A_308 = arith.addf %scan3A_287, %get3A_307 : vector<16xf32>
        %add3A_309 = arith.constant 0 : i32
        %add3A_310 = arith.addi %add3A_293, %add3A_309 : i32
        %get3A_311 = arith.constant 1 : i32
        %get3A_312 = arith.index_cast %get3A_311 : i32 to index
        %get3A_313 = arith.index_cast %add3A_310 : i32 to index
        %get3A_314 = arith.constant 32 : index
        %get3A_315 = tpu.vector_load %arg6[%get3A_312, %get3A_313, %get3A_314] {strides = array<i32>} : memref<2x400x64xf32, #tpu.memory_space<vmem>>, vector<16xf32>,
        %add3A_316 = arith.addf %scan3A_288, %get3A_315 : vector<16xf32>
        %add3A_317 = arith.constant 0 : i32
        %add3A_318 = arith.addi %add3A_293, %add3A_317 : i32
        %get3A_319 = arith.constant 1 : i32
        %get3A_320 = arith.index_cast %get3A_319 : i32 to index
        %get3A_321 = arith.index_cast %add3A_318 : i32 to index
        %get3A_322 = arith.constant 48 : index
        %get3A_323 = tpu.vector_load %arg6[%get3A_320, %get3A_321, %get3A_322] {strides = array<i32>} : memref<2x400x64xf32, #tpu.memory_space<vmem>>, vector<16xf32>,
        %add3A_324 = arith.addf %scan3A_289, %get3A_323 : vector<16xf32>
        %add3A_325 = arith.constant 1 : i32
        %add3A_326 = arith.addi %add3A_293, %add3A_325 : i32
        %get3A_327 = arith.constant 1 : i32
        %get3A_328 = arith.index_cast %get3A_327 : i32 to index
        %get3A_329 = arith.index_cast %add3A_326 : i32 to index
        %get3A_330 = arith.constant 0 : index
        %get3A_331 = tpu.vector_load %arg6[%get3A_328, %get3A_329, %get3A_330] {strides = array<i32>} : memref<2x400x64xf32, #tpu.memory_space<vmem>>, vector<16xf32>,
        %add3A_332 = arith.addf %add3A_300, %get3A_331 : vector<16xf32>
        %add3A_333 = arith.constant 1 : i32
        %add3A_334 = arith.addi %add3A_293, %add3A_333 : i32
        %get3A_335 = arith.constant 1 : i32
        %get3A_336 = arith.index_cast %get3A_335 : i32 to index
        %get3A_337 = arith.index_cast %add3A_334 : i32 to index
        %get3A_338 = arith.constant 16 : index
        %get3A_339 = tpu.vector_load %arg6[%get3A_336, %get3A_337, %get3A_338] {strides = array<i32>} : memref<2x400x64xf32, #tpu.memory_space<vmem>>, vector<16xf32>,
        %add3A_340 = arith.addf %add3A_308, %get3A_339 : vector<16xf32>
        %add3A_341 = arith.constant 1 : i32
        %add3A_342 = arith.addi %add3A_293, %add3A_341 : i32
        %get3A_343 = arith.constant 1 : i32
        %get3A_344 = arith.index_cast %get3A_343 : i32 to index
        %get3A_345 = arith.index_cast %add3A_342 : i32 to index
        %get3A_346 = arith.constant 32 : index
        %get3A_347 = tpu.vector_load %arg6[%get3A_344, %get3A_345, %get3A_346] {strides = array<i32>} : memref<2x400x64xf32, #tpu.memory_space<vmem>>, vector<16xf32>,
        %add3A_348 = arith.addf %add3A_316, %get3A_347 : vector<16xf32>
        %add3A_349 = arith.constant 1 : i32
        %add3A_350 = arith.addi %add3A_293, %add3A_349 : i32
        %get3A_351 = arith.constant 1 : i32
        %get3A_352 = arith.index_cast %get3A_351 : i32 to index
        %get3A_353 = arith.index_cast %add3A_350 : i32 to index
        %get3A_354 = arith.constant 48 : index
        %get3A_355 = tpu.vector_load %arg6[%get3A_352, %get3A_353, %get3A_354] {strides = array<i32>} : memref<2x400x64xf32, #tpu.memory_space<vmem>>, vector<16xf32>,
        %add3A_356 = arith.addf %add3A_324, %get3A_355 : vector<16xf32>
        %add3A_357 = arith.constant 2 : i32
        %add3A_358 = arith.addi %add3A_293, %add3A_357 : i32
        %get3A_359 = arith.constant 1 : i32
        %get3A_360 = arith.index_cast %get3A_359 : i32 to index
        %get3A_361 = arith.index_cast %add3A_358 : i32 to index
        %get3A_362 = arith.constant 0 : index
        %get3A_363 = tpu.vector_load %arg6[%get3A_360, %get3A_361, %get3A_362] {strides = array<i32>} : memref<2x400x64xf32, #tpu.memory_space<vmem>>, vector<16xf32>,
        %add3A_364 = arith.addf %add3A_332, %get3A_363 : vector<16xf32>
        %add3A_365 = arith.constant 2 : i32
        %add3A_366 = arith.addi %add3A_293, %add3A_365 : i32
        %get3A_367 = arith.constant 1 : i32
        %get3A_368 = arith.index_cast %get3A_367 : i32 to index
        %get3A_369 = arith.index_cast %add3A_366 : i32 to index
        %get3A_370 = arith.constant 16 : index
        %get3A_371 = tpu.vector_load %arg6[%get3A_368, %get3A_369, %get3A_370] {strides = array<i32>} : memref<2x400x64xf32, #tpu.memory_space<vmem>>, vector<16xf32>,
        %add3A_372 = arith.addf %add3A_340, %get3A_371 : vector<16xf32>
        %add3A_373 = arith.constant 2 : i32
        %add3A_374 = arith.addi %add3A_293, %add3A_373 : i32
        %get3A_375 = arith.constant 1 : i32
        %get3A_376 = arith.index_cast %get3A_375 : i32 to index
        %get3A_377 = arith.index_cast %add3A_374 : i32 to index
        %get3A_378 = arith.constant 32 : index
        %get3A_379 = tpu.vector_load %arg6[%get3A_376, %get3A_377, %get3A_378] {strides = array<i32>} : memref<2x400x64xf32, #tpu.memory_space<vmem>>, vector<16xf32>,
        %add3A_380 = arith.addf %add3A_348, %get3A_379 : vector<16xf32>
        %add3A_381 = arith.constant 2 : i32
        %add3A_382 = arith.addi %add3A_293, %add3A_381 : i32
        %get3A_383 = arith.constant 1 : i32
        %get3A_384 = arith.index_cast %get3A_383 : i32 to index
        %get3A_385 = arith.index_cast %add3A_382 : i32 to index
        %get3A_386 = arith.constant 48 : index
        %get3A_387 = tpu.vector_load %arg6[%get3A_384, %get3A_385, %get3A_386] {strides = array<i32>} : memref<2x400x64xf32, #tpu.memory_space<vmem>>, vector<16xf32>,
        %add3A_388 = arith.addf %add3A_356, %get3A_387 : vector<16xf32>
        %add3A_389 = arith.constant 3 : i32
        %add3A_390 = arith.addi %add3A_293, %add3A_389 : i32
        %get3A_391 = arith.constant 1 : i32
        %get3A_392 = arith.index_cast %get3A_391 : i32 to index
        %get3A_393 = arith.index_cast %add3A_390 : i32 to index
        %get3A_394 = arith.constant 0 : index
        %get3A_395 = tpu.vector_load %arg6[%get3A_392, %get3A_393, %get3A_394] {strides = array<i32>} : memref<2x400x64xf32, #tpu.memory_space<vmem>>, vector<16xf32>,
        %add3A_396 = arith.addf %add3A_364, %get3A_395 : vector<16xf32>
        %add3A_397 = arith.constant 3 : i32
        %add3A_398 = arith.addi %add3A_293, %add3A_397 : i32
        %get3A_399 = arith.constant 1 : i32
        %get3A_400 = arith.index_cast %get3A_399 : i32 to index
        %get3A_401 = arith.index_cast %add3A_398 : i32 to index
        %get3A_402 = arith.constant 16 : index
        %get3A_403 = tpu.vector_load %arg6[%get3A_400, %get3A_401, %get3A_402] {strides = array<i32>} : memref<2x400x64xf32, #tpu.memory_space<vmem>>, vector<16xf32>,
        %add3A_404 = arith.addf %add3A_372, %get3A_403 : vector<16xf32>
        %add3A_405 = arith.constant 3 : i32
        %add3A_406 = arith.addi %add3A_293, %add3A_405 : i32
        %get3A_407 = arith.constant 1 : i32
        %get3A_408 = arith.index_cast %get3A_407 : i32 to index
        %get3A_409 = arith.index_cast %add3A_406 : i32 to index
        %get3A_410 = arith.constant 32 : index
        %get3A_411 = tpu.vector_load %arg6[%get3A_408, %get3A_409, %get3A_410] {strides = array<i32>} : memref<2x400x64xf32, #tpu.memory_space<vmem>>, vector<16xf32>,
        %add3A_412 = arith.addf %add3A_380, %get3A_411 : vector<16xf32>
        %add3A_413 = arith.constant 3 : i32
        %add3A_414 = arith.addi %add3A_293, %add3A_413 : i32
        %get3A_415 = arith.constant 1 : i32
        %get3A_416 = arith.index_cast %get3A_415 : i32 to index
        %get3A_417 = arith.index_cast %add3A_414 : i32 to index
        %get3A_418 = arith.constant 48 : index
        %get3A_419 = tpu.vector_load %arg6[%get3A_416, %get3A_417, %get3A_418] {strides = array<i32>} : memref<2x400x64xf32, #tpu.memory_space<vmem>>, vector<16xf32>,
        %add3A_420 = arith.addf %add3A_388, %get3A_419 : vector<16xf32>
        %add3A_421 = arith.constant 4 : i32
        %add3A_422 = arith.addi %add3A_293, %add3A_421 : i32
        %get3A_423 = arith.constant 1 : i32
        %get3A_424 = arith.index_cast %get3A_423 : i32 to index
        %get3A_425 = arith.index_cast %add3A_422 : i32 to index
        %get3A_426 = arith.constant 0 : index
        %get3A_427 = tpu.vector_load %arg6[%get3A_424, %get3A_425, %get3A_426] {strides = array<i32>} : memref<2x400x64xf32, #tpu.memory_space<vmem>>, vector<16xf32>,
        %add3A_428 = arith.addf %add3A_396, %get3A_427 : vector<16xf32>
        %add3A_429 = arith.constant 4 : i32
        %add3A_430 = arith.addi %add3A_293, %add3A_429 : i32
        %get3A_431 = arith.constant 1 : i32
        %get3A_432 = arith.index_cast %get3A_431 : i32 to index
        %get3A_433 = arith.index_cast %add3A_430 : i32 to index
        %get3A_434 = arith.constant 16 : index
        %get3A_435 = tpu.vector_load %arg6[%get3A_432, %get3A_433, %get3A_434] {strides = array<i32>} : memref<2x400x64xf32, #tpu.memory_space<vmem>>, vector<16xf32>,
        %add3A_436 = arith.addf %add3A_404, %get3A_435 : vector<16xf32>
        %add3A_437 = arith.constant 4 : i32
        %add3A_438 = arith.addi %add3A_293, %add3A_437 : i32
        %get3A_439 = arith.constant 1 : i32
        %get3A_440 = arith.index_cast %get3A_439 : i32 to index
        %get3A_441 = arith.index_cast %add3A_438 : i32 to index
        %get3A_442 = arith.constant 32 : index
        %get3A_443 = tpu.vector_load %arg6[%get3A_440, %get3A_441, %get3A_442] {strides = array<i32>} : memref<2x400x64xf32, #tpu.memory_space<vmem>>, vector<16xf32>,
        %add3A_444 = arith.addf %add3A_412, %get3A_443 : vector<16xf32>
        %add3A_445 = arith.constant 4 : i32
        %add3A_446 = arith.addi %add3A_293, %add3A_445 : i32
        %get3A_447 = arith.constant 1 : i32
        %get3A_448 = arith.index_cast %get3A_447 : i32 to index
        %get3A_449 = arith.index_cast %add3A_446 : i32 to index
        %get3A_450 = arith.constant 48 : index
        %get3A_451 = tpu.vector_load %arg6[%get3A_448, %get3A_449, %get3A_450] {strides = array<i32>} : memref<2x400x64xf32, #tpu.memory_space<vmem>>, vector<16xf32>,
        %add3A_452 = arith.addf %add3A_420, %get3A_451 : vector<16xf32>
        %add3A_453 = arith.constant 5 : i32
        %add3A_454 = arith.addi %add3A_293, %add3A_453 : i32
        %get3A_455 = arith.constant 1 : i32
        %get3A_456 = arith.index_cast %get3A_455 : i32 to index
        %get3A_457 = arith.index_cast %add3A_454 : i32 to index
        %get3A_458 = arith.constant 0 : index
        %get3A_459 = tpu.vector_load %arg6[%get3A_456, %get3A_457, %get3A_458] {strides = array<i32>} : memref<2x400x64xf32, #tpu.memory_space<vmem>>, vector<16xf32>,
        %add3A_460 = arith.addf %add3A_428, %get3A_459 : vector<16xf32>
        %add3A_461 = arith.constant 5 : i32
        %add3A_462 = arith.addi %add3A_293, %add3A_461 : i32
        %get3A_463 = arith.constant 1 : i32
        %get3A_464 = arith.index_cast %get3A_463 : i32 to index
        %get3A_465 = arith.index_cast %add3A_462 : i32 to index
        %get3A_466 = arith.constant 16 : index
        %get3A_467 = tpu.vector_load %arg6[%get3A_464, %get3A_465, %get3A_466] {strides = array<i32>} : memref<2x400x64xf32, #tpu.memory_space<vmem>>, vector<16xf32>,
        %add3A_468 = arith.addf %add3A_436, %get3A_467 : vector<16xf32>
        %add3A_469 = arith.constant 5 : i32
        %add3A_470 = arith.addi %add3A_293, %add3A_469 : i32
        %get3A_471 = arith.constant 1 : i32
        %get3A_472 = arith.index_cast %get3A_471 : i32 to index
        %get3A_473 = arith.index_cast %add3A_470 : i32 to index
        %get3A_474 = arith.constant 32 : index
        %get3A_475 = tpu.vector_load %arg6[%get3A_472, %get3A_473, %get3A_474] {strides = array<i32>} : memref<2x400x64xf32, #tpu.memory_space<vmem>>, vector<16xf32>,
        %add3A_476 = arith.addf %add3A_444, %get3A_475 : vector<16xf32>
        %add3A_477 = arith.constant 5 : i32
        %add3A_478 = arith.addi %add3A_293, %add3A_477 : i32
        %get3A_479 = arith.constant 1 : i32
        %get3A_480 = arith.index_cast %get3A_479 : i32 to index
        %get3A_481 = arith.index_cast %add3A_478 : i32 to index
        %get3A_482 = arith.constant 48 : index
        %get3A_483 = tpu.vector_load %arg6[%get3A_480, %get3A_481, %get3A_482] {strides = array<i32>} : memref<2x400x64xf32, #tpu.memory_space<vmem>>, vector<16xf32>,
        %add3A_484 = arith.addf %add3A_452, %get3A_483 : vector<16xf32>
        %add3A_485 = arith.constant 6 : i32
        %add3A_486 = arith.addi %add3A_293, %add3A_485 : i32
        %get3A_487 = arith.constant 1 : i32
        %get3A_488 = arith.index_cast %get3A_487 : i32 to index
        %get3A_489 = arith.index_cast %add3A_486 : i32 to index
        %get3A_490 = arith.constant 0 : index
        %get3A_491 = tpu.vector_load %arg6[%get3A_488, %get3A_489, %get3A_490] {strides = array<i32>} : memref<2x400x64xf32, #tpu.memory_space<vmem>>, vector<16xf32>,
        %add3A_492 = arith.addf %add3A_460, %get3A_491 : vector<16xf32>
        %add3A_493 = arith.constant 6 : i32
        %add3A_494 = arith.addi %add3A_293, %add3A_493 : i32
        %get3A_495 = arith.constant 1 : i32
        %get3A_496 = arith.index_cast %get3A_495 : i32 to index
        %get3A_497 = arith.index_cast %add3A_494 : i32 to index
        %get3A_498 = arith.constant 16 : index
        %get3A_499 = tpu.vector_load %arg6[%get3A_496, %get3A_497, %get3A_498] {strides = array<i32>} : memref<2x400x64xf32, #tpu.memory_space<vmem>>, vector<16xf32>,
        %add3A_500 = arith.addf %add3A_468, %get3A_499 : vector<16xf32>
        %add3A_501 = arith.constant 6 : i32
        %add3A_502 = arith.addi %add3A_293, %add3A_501 : i32
        %get3A_503 = arith.constant 1 : i32
        %get3A_504 = arith.index_cast %get3A_503 : i32 to index
        %get3A_505 = arith.index_cast %add3A_502 : i32 to index
        %get3A_506 = arith.constant 32 : index
        %get3A_507 = tpu.vector_load %arg6[%get3A_504, %get3A_505, %get3A_506] {strides = array<i32>} : memref<2x400x64xf32, #tpu.memory_space<vmem>>, vector<16xf32>,
        %add3A_508 = arith.addf %add3A_476, %get3A_507 : vector<16xf32>
        %add3A_509 = arith.constant 6 : i32
        %add3A_510 = arith.addi %add3A_293, %add3A_509 : i32
        %get3A_511 = arith.constant 1 : i32
        %get3A_512 = arith.index_cast %get3A_511 : i32 to index
        %get3A_513 = arith.index_cast %add3A_510 : i32 to index
        %get3A_514 = arith.constant 48 : index
        %get3A_515 = tpu.vector_load %arg6[%get3A_512, %get3A_513, %get3A_514] {strides = array<i32>} : memref<2x400x64xf32, #tpu.memory_space<vmem>>, vector<16xf32>,
        %add3A_516 = arith.addf %add3A_484, %get3A_515 : vector<16xf32>
        %add3A_517 = arith.constant 7 : i32
        %add3A_518 = arith.addi %add3A_293, %add3A_517 : i32
        %get3A_519 = arith.constant 1 : i32
        %get3A_520 = arith.index_cast %get3A_519 : i32 to index
        %get3A_521 = arith.index_cast %add3A_518 : i32 to index
        %get3A_522 = arith.constant 0 : index
        %get3A_523 = tpu.vector_load %arg6[%get3A_520, %get3A_521, %get3A_522] {strides = array<i32>} : memref<2x400x64xf32, #tpu.memory_space<vmem>>, vector<16xf32>,
        %add3A_524 = arith.addf %add3A_492, %get3A_523 : vector<16xf32>
        %add3A_525 = arith.constant 7 : i32
        %add3A_526 = arith.addi %add3A_293, %add3A_525 : i32
        %get3A_527 = arith.constant 1 : i32
        %get3A_528 = arith.index_cast %get3A_527 : i32 to index
        %get3A_529 = arith.index_cast %add3A_526 : i32 to index
        %get3A_530 = arith.constant 16 : index
        %get3A_531 = tpu.vector_load %arg6[%get3A_528, %get3A_529, %get3A_530] {strides = array<i32>} : memref<2x400x64xf32, #tpu.memory_space<vmem>>, vector<16xf32>,
        %add3A_532 = arith.addf %add3A_500, %get3A_531 : vector<16xf32>
        %add3A_533 = arith.constant 7 : i32
        %add3A_534 = arith.addi %add3A_293, %add3A_533 : i32
        %get3A_535 = arith.constant 1 : i32
        %get3A_536 = arith.index_cast %get3A_535 : i32 to index
        %get3A_537 = arith.index_cast %add3A_534 : i32 to index
        %get3A_538 = arith.constant 32 : index
        %get3A_539 = tpu.vector_load %arg6[%get3A_536, %get3A_537, %get3A_538] {strides = array<i32>} : memref<2x400x64xf32, #tpu.memory_space<vmem>>, vector<16xf32>,
        %add3A_540 = arith.addf %add3A_508, %get3A_539 : vector<16xf32>
        %add3A_541 = arith.constant 7 : i32
        %add3A_542 = arith.addi %add3A_293, %add3A_541 : i32
        %get3A_543 = arith.constant 1 : i32
        %get3A_544 = arith.index_cast %get3A_543 : i32 to index
        %get3A_545 = arith.index_cast %add3A_542 : i32 to index
        %get3A_546 = arith.constant 48 : index
        %get3A_547 = tpu.vector_load %arg6[%get3A_544, %get3A_545, %get3A_546] {strides = array<i32>} : memref<2x400x64xf32, #tpu.memory_space<vmem>>, vector<16xf32>,
        %add3A_548 = arith.addf %add3A_516, %get3A_547 : vector<16xf32>
        scf.yield %add3A_524, %add3A_532, %add3A_540, %add3A_548 : vector<16xf32>, vector<16xf32>, vector<16xf32>, vector<16xf32>
      }
      %scan3A_256 = arith.constant 25 : i32
      %mul3A_257 = arith.constant 2 : i32
      %mul3A_258 = arith.muli %add3A_212, %mul3A_257 : i32
      %add3A_259 = arith.constant 1 : i32
      %add3A_260 = arith.addi %mul3A_258, %add3A_259 : i32
      %mul3A_261 = arith.constant 5.000000e-03 : f32
      %mul3A_262 = vector.broadcast %mul3A_261 : f32 to vector<16xf32>
      %mul3A_263 = arith.mulf %scan3A_255#0, %mul3A_262 : vector<16xf32>
      %swap3A_264 = arith.index_cast %add3A_260 : i32 to index
      %swap3A_265 = arith.constant 0 : index
      %swap3A_266 = tpu.vector_load %arg7[%swap3A_264, %swap3A_265] {strides = array<i32>} : memref<128x64xf32, #tpu.memory_space<vmem>>, vector<16xf32>,
      tpu.vector_store %arg7[%swap3A_264, %swap3A_265], %mul3A_263 {strides = array<i32>} : memref<128x64xf32, #tpu.memory_space<vmem>>, vector<16xf32>,
      %mul3A_267 = arith.constant 5.000000e-03 : f32
      %mul3A_268 = vector.broadcast %mul3A_267 : f32 to vector<16xf32>
      %mul3A_269 = arith.mulf %scan3A_255#1, %mul3A_268 : vector<16xf32>
      %swap3A_270 = arith.index_cast %add3A_260 : i32 to index
      %swap3A_271 = arith.constant 16 : index
      %swap3A_272 = tpu.vector_load %arg7[%swap3A_270, %swap3A_271] {strides = array<i32>} : memref<128x64xf32, #tpu.memory_space<vmem>>, vector<16xf32>,
      tpu.vector_store %arg7[%swap3A_270, %swap3A_271], %mul3A_269 {strides = array<i32>} : memref<128x64xf32, #tpu.memory_space<vmem>>, vector<16xf32>,
      %mul3A_273 = arith.constant 5.000000e-03 : f32
      %mul3A_274 = vector.broadcast %mul3A_273 : f32 to vector<16xf32>
      %mul3A_275 = arith.mulf %scan3A_255#2, %mul3A_274 : vector<16xf32>
      %swap3A_276 = arith.index_cast %add3A_260 : i32 to index
      %swap3A_277 = arith.constant 32 : index
      %swap3A_278 = tpu.vector_load %arg7[%swap3A_276, %swap3A_277] {strides = array<i32>} : memref<128x64xf32, #tpu.memory_space<vmem>>, vector<16xf32>,
      tpu.vector_store %arg7[%swap3A_276, %swap3A_277], %mul3A_275 {strides = array<i32>} : memref<128x64xf32, #tpu.memory_space<vmem>>, vector<16xf32>,
      %mul3A_279 = arith.constant 5.000000e-03 : f32
      %mul3A_280 = vector.broadcast %mul3A_279 : f32 to vector<16xf32>
      %mul3A_281 = arith.mulf %scan3A_255#3, %mul3A_280 : vector<16xf32>
      %swap3A_282 = arith.index_cast %add3A_260 : i32 to index
      %swap3A_283 = arith.constant 48 : index
      %swap3A_284 = tpu.vector_load %arg7[%swap3A_282, %swap3A_283] {strides = array<i32>} : memref<128x64xf32, #tpu.memory_space<vmem>>, vector<16xf32>,
      tpu.vector_store %arg7[%swap3A_282, %swap3A_283], %mul3A_281 {strides = array<i32>} : memref<128x64xf32, #tpu.memory_space<vmem>>, vector<16xf32>,
    }
    %scan3A_46 = arith.constant 32 : i32
    %mul3A_47 = arith.constant 128 : i32
    %mul3A_48 = arith.muli %add3A, %mul3A_47 : i32
    "tpu.region"() ({
      %run_scoped3A = tpu.sem_alloc : memref<!tpu.dma_semaphore, #tpu.memory_space<semaphore_mem>>
      %dma_start3A_49 = arith.constant 0 : i32
      %dma_start3A_50 = tpu.memref_slice %arg4[%mul3A_48, %dma_start3A_49] : memref<4096x64xf32, #tpu.memory_space<hbm>> -> memref<128x64xf32, #tpu.memory_space<hbm>>
      %dma_start3A_51 = arith.constant 0 : i32
      %dma_start3A_52 = tpu.memref_slice %arg4[%mul3A_48, %dma_start3A_51] : memref<4096x64xf32, #tpu.memory_space<hbm>> -> memref<128x64xf32, #tpu.memory_space<hbm>>
      tpu.enqueue_dma source(%arg7 : memref<128x64xf32, #tpu.memory_space<vmem>>) target(%dma_start3A_52 : memref<128x64xf32, #tpu.memory_space<hbm>>) target_semaphore(%run_scoped3A : memref<!tpu.dma_semaphore, #tpu.memory_space<semaphore_mem>>)
      %dma_wait3A = arith.constant 0 : i32
      %dma_wait3A_53 = tpu.memref_slice %arg4[%mul3A_48, %dma_wait3A] : memref<4096x64xf32, #tpu.memory_space<hbm>> -> memref<128x64xf32, #tpu.memory_space<hbm>>
      %dma_wait3A_54 = arith.constant 0 : i32
      %dma_wait3A_55 = tpu.memref_slice %arg4[%mul3A_48, %dma_wait3A_54] : memref<4096x64xf32, #tpu.memory_space<hbm>> -> memref<128x64xf32, #tpu.memory_space<hbm>>
      tpu.wait_dma2 semaphore(%run_scoped3A : memref<!tpu.dma_semaphore, #tpu.memory_space<semaphore_mem>>) src(%arg7 : memref<128x64xf32, #tpu.memory_space<vmem>>) dst(%dma_wait3A_55 : memref<128x64xf32, #tpu.memory_space<hbm>>)
      tpu.yield
    }) : () -> ()
    return
  }
}

</mosaic_0001>

<sc_bundles>
// kernel: kernel.3.cloned.1.call-start
scs
__scs_entry_jumppad:
0x0: {  	(pc) =	sbr.rel $0x88, $3  }
0x1: {  	(tag) =	ssettag $0x0;
	lr =	simm.s32 $0x1  }
0x2: {  	[smem:$0x3F9F] =	sst lr;
	_ =	strace $0xD0000000  }
0x3: {  	_ = 	snop  }
0x4: {  	_ = 	snop  }
0x5: {  	_ = 	snop  }
0x6: {  	_ = 	snop  }
0x7: {  	_ = 	snop  }
__scs_overlays_trampoline_lowered:
0x8: {  	[smem:$0x3FAE] =	sst s0  }
0x9: {  	[smem:$0x3FAF] =	sst s1  }
0xa: {  	[smem:$0x3FB0] =	sst s2  }
0xb: {  	[smem:$0x3FB1] =	sst s3  }
0xc: {  	[smem:$0x3FB2] =	sst s4  }
0xd: {  	[smem:$0x3FB3] =	sst s5  }
0xe: {  	[smem:$0x3FB4] =	sst s6  }
0xf: {  	[smem:$0x3FB5] =	sst s7  }
0x10: {  	[smem:$0x3FB6] =	sst s8  }
0x11: {  	[smem:$0x3FB7] =	sst s9;
	s0 =	simm.s32 @!p0 $0x0  }
0x12: {  	s1 =	sld [smem:$0x3F9D];
	s0 =	simm.s32 @p0 $0x1  }
0x13: {  	[smem:$0x3FB8] =	sst s0;
	s0 =	simm.s32 @!p1 $0x0  }
0x14: {  	s2 =	sld [smem:$0x3F9C];
	s0 =	simm.s32 @p1 $0x1  }
0x15: {  	[smem:$0x3FB9] =	sst s0;
	s0 =	simm.s32 @!p2 $0x0  }
0x16: {  	s3 =	sld [smem:$0x3FDB];
	s0 =	simm.s32 @p2 $0x1  }
0x17: {  	s4 =	simm.s32 $0x1BF5;
	[smem:$0x3FBB] =	sst s0  }
0x18: {  	s0 =	sld [smem:$0x3F9E];
	_ =	swait.ge [sflag:s4], $0x0  }
0x19: {  	s7 =	sld [smem:$0x3F9F]  }
0x1a: {  	s8 =	sadd.s32 $0xFFFFE003, lr  }
0x1b: {  	s9 =	sadd.s32 $0xFFFFFEF7, lr;
	s5 =	simm.s32 $0xFFFFFFFF;
	p2 =	slt.u32 s8, $0xFFFFF086  }
0x1c: {  	p1 =	slt.u32 s9, $0xF7A;
	s5 =	simm.s32 @!p2 $0x0  }
0x1d: {  	s5 =	simm.s32 @p1 $0x1;
	p0 =	seq.s32 s7, s2  }
0x1e: {  	s7 =	smul.u32 @!p0 $0xF7A, s2;
	p2 =	seq.s32 @!p0 s5, $0x0  }
0x1f: {  	s9 =	smul.u32 $0xF7A, s1;
	s8 =	simm.s32 @!p0 $0x1BF5;
	p2 =	por !p2, p0  }
0x20: {  	[sflag:s8] =	ssyncset.s32 @!p0 $0xFFFFF086;
	s6 =	sadd.s32 @!p0 s3, s7;
	s7 =	simm.s32 @!p0 $0x108  }
0x21: {  	s3 =	sadd.s32 s3, s9;
	s6 =	sadd.s32 @!p0 $0x88, s6;
	s7 =	simm.s32 @p2 $0x1082  }
0x22: {  	[simem:s7], [sflag:s8] =	dma.local @!p0 [hbm:s6], $0xF7A  }
0x23: {  	s9 =	sor.u32 $0xD0000000, s2;
	s6 =	simm.s32 $0x108;
	_ =	swait.ge @!p0 [sflag:s8], $0x0  }
0x24: {  	s3 =	sadd.s32 $0x88, s3;
	s6 =	simm.s32 @!p1 $0x1082;
	[sflag:s4] =	ssyncset.s32 $0xFFFFF086  }
0x25: {  	[simem:s6], [sflag:s4] =	dma.local [hbm:s3], $0xF7A  }
0x26: {  	[smem:$0x3F9F] =	sst s1;
	(tag) =	ssettag s2;
	_ =	strace s9  }
0x27: {  	s1 =	sld [smem:$0x3FAF]  }
0x28: {  	s2 =	sld [smem:$0x3FB0]  }
0x29: {  	s4 =	sld [smem:$0x3FB2]  }
0x2a: {  	p0 =	seq.s32 s5, $0x0;
	s5 =	sld [smem:$0x3FB3]  }
0x2b: {  	s6 =	sld [smem:$0x3FB4]  }
0x2c: {  	s7 =	sld [smem:$0x3FB5]  }
0x2d: {  	s3 =	simm.s32 $0x108;
	s8 =	sld [smem:$0x3FB6]  }
0x2e: {  	s3 =	simm.s32 @!p0 $0x1082;
	s9 =	sld [smem:$0x3FB7]  }
0x2f: {  	lr =	sadd.s32 s0, s3;
	s0 =	sld [smem:$0x3FAE]  }
0x30: {  	s3 =	sld [smem:$0x3FB1]  }
0x31: {  	[smem:$0x3FBA] =	sst s10  }
0x32: {  	s10 =	sld [smem:$0x3FB8];
	_ =	sdelay $0x3  }
0x33: {  	p0 =	seq.s32 s10, $0x1;
	s10 =	sld [smem:$0x3FBA];
	_ =	sdelay $0x3  }
0x34: {  	[smem:$0x3FBA] =	sst s10  }
0x35: {  	s10 =	sld [smem:$0x3FB9];
	_ =	sdelay $0x3  }
0x36: {  	p1 =	seq.s32 s10, $0x1;
	s10 =	sld [smem:$0x3FBA];
	_ =	sdelay $0x3  }
0x37: {  	[smem:$0x3FBA] =	sst s10  }
0x38: {  	s10 =	sld [smem:$0x3FBB]  }
0x39: {  	_ = 	snop;
	(pc) =	sbr.ind lr, $3  }
0x3a: {  	_ = 	snop  }
0x3b: {  	_ = 	snop  }
0x3c: {  	p2 =	seq.s32 s10, $0x1;
	s10 =	sld [smem:$0x3FBA]  }
0x3d: {  	_ =	shalt  }
0x3e: {  	_ =	shalt  }
0x3f: {  	_ =	shalt  }
0x40: {  	_ =	shalt  }
0x41: {  	_ =	shalt  }
0x42: {  	_ =	shalt  }
0x43: {  	_ =	shalt  }
0x44: {  	_ =	shalt  }
0x45: {  	_ =	shalt  }
0x46: {  	_ =	shalt  }
0x47: {  	_ =	shalt  }
0x48: {  	_ =	shalt  }
0x49: {  	_ =	shalt  }
0x4a: {  	_ =	shalt  }
0x4b: {  	_ =	shalt  }
0x4c: {  	_ =	shalt  }
0x4d: {  	_ =	shalt  }
0x4e: {  	_ =	shalt  }
0x4f: {  	_ =	shalt  }
0x50: {  	_ =	shalt  }
0x51: {  	_ =	shalt  }
0x52: {  	_ =	shalt  }
0x53: {  	_ =	shalt  }
0x54: {  	_ =	shalt  }
0x55: {  	_ =	shalt  }
0x56: {  	_ =	shalt  }
0x57: {  	_ =	shalt  }
0x58: {  	_ =	shalt  }
0x59: {  	_ =	shalt  }
0x5a: {  	_ =	shalt  }
0x5b: {  	_ =	shalt  }
0x5c: {  	_ =	shalt  }
0x5d: {  	_ =	shalt  }
0x5e: {  	_ =	shalt  }
0x5f: {  	_ =	shalt  }
0x60: {  	_ =	shalt  }
0x61: {  	_ =	shalt  }
0x62: {  	_ =	shalt  }
0x63: {  	_ =	shalt  }
0x64: {  	_ =	shalt  }
0x65: {  	_ =	shalt  }
0x66: {  	_ =	shalt  }
0x67: {  	_ =	shalt  }
0x68: {  	_ =	shalt  }
0x69: {  	_ =	shalt  }
0x6a: {  	_ =	shalt  }
0x6b: {  	_ =	shalt  }
0x6c: {  	_ =	shalt  }
0x6d: {  	_ =	shalt  }
0x6e: {  	_ =	shalt  }
0x6f: {  	_ =	shalt  }
0x70: {  	_ =	shalt  }
0x71: {  	_ =	shalt  }
0x72: {  	_ =	shalt  }
0x73: {  	_ =	shalt  }
0x74: {  	_ =	shalt  }
0x75: {  	_ =	shalt  }
0x76: {  	_ =	shalt  }
0x77: {  	_ =	shalt  }
0x78: {  	_ =	shalt  }
0x79: {  	_ =	shalt  }
0x7a: {  	_ =	shalt  }
0x7b: {  	_ =	shalt  }
0x7c: {  	_ =	shalt  }
0x7d: {  	_ =	shalt  }
0x7e: {  	_ =	shalt  }
0x7f: {  	_ =	shalt  }
0x80: {  	_ =	shalt  }
0x81: {  	_ =	shalt  }
0x82: {  	_ =	shalt  }
0x83: {  	_ =	shalt  }
0x84: {  	_ =	shalt  }
0x85: {  	_ =	shalt  }
0x86: {  	_ =	shalt  }
0x87: {  	_ =	shalt  }
.Lfunc_end0:
.L_simem_size_0:
called_computation.1_lowered:
.L_overlay_start_0:
0x88: {  	s2 =	sld [smem:$0x3FD9]  }
0x89: {  	s3 =	sld [smem:$0x3FFE];
	_ =	sdelay $0x1  }
0x8a: {  	s1 =	srdreg.scid  }
0x8b: {  	s0 =	sand.u32 $0x1, s1  }
0x8c: {  	s17 =	sshll.u32 s0, $0xA;
	s2 =	sadd.s32 s3, s2  }
0x8d: {  	s2 =	sadd.s32 s2, s17  }
0x8e: {  	[smem:$0x3FC6] =	sst s2  }
0x8f: {  	_ = 	snop  }
0x90: {  	s2 =	sld [smem:$0x3FD0];
	(tm) =	ssettm $0x1  }
0x91: {  	s18 =	sld [smem:$0x3FFB];
	_ =	sdelay $0x3  }
0x92: {  	_ =	strace s18  }
0x93: {  	s3 =	sld [smem:$0x3FFC];
	_ =	sdelay $0x3  }
0x94: {  	_ =	strace s3  }
0x95: {  	s3 =	sld [smem:$0x3FFD];
	_ =	sdelay $0x3  }
0x96: {  	_ =	strace s3  }
0x97: {  	_ =	strace $0x8FFFFFFF  }
0x98: {  	s19 =	sld [smem:$0x3FDB];
	_ =	sdelay $0x1  }
0x99: {  	s4 =	simm.s32 $_scs_section_size  }
0x9a: {  	s5 =	simm.s32 $_size__tile_overlayer_lowered;
	s6 =	simm.s32 $_tile_overlayer_lowered  }
0x9b: {  	s22 =	simm.s32 $0x1BFF;
	s21 =	sshll.u32 s6, $0x1;
	s3 =	sadd.s32 s4, s19  }
0x9c: {  	s7 =	simm.s32 $0x0;
	s20 =	sshll.u32 s5, $0x1;
	s5 =	sadd.s32 s21, s3  }
0x9d: {  	[timem:s7], [sflag:s22] =	dma.local [hbm:s5], s20  }
0x9e: {  	_ =	swait.ge [sflag:s22], s20  }
0x9f: {  	s4 =	ssub.s32 $0x0, s20;
	[sflag:s22] =	ssyncset.done $0x0  }
0xa0: {  	[sflag:s22] =	ssyncadd.s32 s4;
	_ =	sdelay $0x1  }
0xa1: {  	s23 =	simm.s32 $0x1B8B  }
0xa2: {  	_ =	swait.ge [sflag:s23], $0x1  }
0xa3: {  	[sflag:s23] =	ssyncset.done $0x0  }
0xa4: {  	s25 =	simm.s32 $0x1B8E;
	s24 =	sld [smem:$0x3FFE];
	[sflag:s23] =	ssyncadd.s32 $0xFFFFFFFF  }
0xa5: {  	s26 =	simm.s32 $execute0_lowered;
	[smem:$0x3FD2] =	sst s25  }
0xa6: {  	s5 =	sshll.u32 s26, $0x1;
	_ =	strace $0x80000049;
	[dreg:$0x1] =	wrdreg $0xFFFFFFFF  }
0xa7: {  	s28 =	simm.s32 $_size_execute0_lowered;
	s3 =	sadd.s32 s3, s5;
	[dreg:$0x0] =	wrdreg $0x0  }
0xa8: {  	s5 =	sshll.u32 s28, $0x1;
	[dreg:$0x2] =	wrdreg s3  }
0xa9: {  	[dreg:$0x3] =	wrdreg s5  }
0xaa: {  	[dreg:$0x4] =	wrdreg $0xC0  }
0xab: {  	_ =	task [dreg:s7], $0x5FFFF  }
0xac: {  	[dreg:$0x1] =	wrdreg $0xFFFFFFFF  }
0xad: {  	[dreg:$0x0] =	wrdreg $0x60  }
0xae: {  	[dreg:$0x2] =	wrdreg s24  }
0xaf: {  	[dreg:$0x3] =	wrdreg s2  }
0xb0: {  	[dreg:$0x4] =	wrdreg $0x9  }
0xb1: {  	_ =	task.clear_ibuf [dreg:s7], $0x5FFFF;
	_ =	strace $0x90000049  }
0xb2: {  	s29 =	simm.s32 $0x9;
	_ =	strace $0x8000004B  }
0xb3: {  	_ =	swait.ge [sflag:s29], $0x1  }
0xb4: {  	[sflag:s29] =	ssyncadd.s32 $0xFFFFFFFF  }
0xb5: {  	_ =	strace $0x9000004B  }
0xb6: {  	_ =	sfence  }
0xb7: {  	s30 =	sld [smem:$0x0];
	_ =	sdelay $0x2  }
0xb8: {  	s31 =	sshll.u32 s1, $0xD;
	s1 =	sshrl.u32 s1, $0x2  }
0xb9: {  	s3 =	sand.u32 $0x4000, s31;
	s1 =	sadd.s32 s1, s30  }
0xba: {  	s0 =	sor.u32 s3, s0;
	s1 =	sshll.u32 s1, $0x11  }
0xbb: {  	s0 =	sor.u32 s1, s0  }
0xbc: {  	s0 =	sadd.s32 $0x8F2B, s0  }
0xbd: {  	[sflag:s0] =	ssyncadd.remote.s32 $0x1  }
0xbe: {  	_ =	sfence.sel $0xFFFF  }
0xbf: {  	[dreg:$0x0] =	wrdreg $0xFFFFFFFF;
	(pc) =	sbr.abs _section_cstart, $3  }
0xc0: {  	[dreg:$0x1] =	wrdreg $0xFFFFFFFF  }
0xc1: {  	_ =	task.clear_ibuf [dreg:s7], $0x2FFFF;
	_ =	strace $0x9FFFFFFF  }
0xc2: {  	(tm) =	ssettm $0x7FFFFFFF  }
0xc3: {  	_ =	shalt  }
tec
execute0_lowered:
.L_overlay_start_1:
0x0: {  	(tag) =	ssettag $0x1  }
0x1: {  	s1 =	srdreg.scid;
	s3 =	rddreg [dreg:$0x0]  }
0x2: {  	s0 =	stileid.u32;
	s5 =	rddreg [dreg:$0x1];
	s2 =	simm.s32 $0x0  }
0x3: {  	s9 =	simm.s32 $0x6400;
	s10 =	simm.s32 $0x48;
	s11 =	simm.s32 $0x8400  }
0x4: {  	s12 =	simm.s32 $0xC8;
	s13 =	simm.s32 $0x9600;
	s14 =	simm.s32 $0x148  }
0x5: {  	s15 =	simm.s32 $0xB600;
	s16 =	simm.s32 $0xC800;
	s17 =	simm.s32 $0xE800  }
0x6: {  	s18 =	simm.s32 $0xFA00;
	s19 =	simm.s32 $0x11A00;
	s20 =	simm.s32 $0x1  }
0x7: {  	s21 =	simm.s32 $0x2;
	s22 =	simm.s32 $0x12C00;
	s23 =	simm.s32 $0x0  }
0x8: {  	s4 =	sand.u32 $0x1, s1;
	s31 =	sshll.u32 s0, $0x1;
	s1 =	rddreg [dreg:$0x2]  }
0x9: {  	[smem:$0x7FF] =	sst s2;
	s6 =	sor.u32 s4, s31;
	s4 =	ssub.s32 $0x2, s4  }
0xa: {  	s7 =	smul.u32 $0xC80, s6;
	s8 =	sshrl.u32 s4, $0x1;
	s6 =	sshll.u32 s6, $0xA  }
0xb: {  	_ =	strace $0x8000004A;
	s8 =	ssub.s32 s4, s8;
	s5 =	sadd.s32 s5, s6  }
0xc: {  	s7 =	sadd.s32 s7, s3;
	s3 =	sadd.s32 $0xF5BE00, s3;
	s6 =	smax.u32 s8, $0x1  }
0xd: {  	s8 =	simm.s32 $0x80;
	s4 =	sadd.s32 $0xF42E00, s7;
	s7 =	simm.s32 $0x3  }
.LBB2_1:
0xe: {  	[tilespmem:s2], [sflag:$0x3] =	stream.linear.gather [hbm4b:s4+s2], $0x6400, $0x38;
	[tilespmem:$0x14C00] =	vst v63  }
0xf: {  	_ =	swait.ge [sflag:s7], $0x6400  }
0x10: {  	[sflag:s7] =	ssyncset.done $0x0  }
0x11: {  	[sflag:s7] =	ssyncadd.s32 $0xFFFF9C00  }
0x12: {  	[tilespmem:s9], [sflag:$0x1] =	stream.indirect.gather [hbm4b:s3+s8], $0x40, s2, s8, $0xb8;
	[tilespmem:$0x14C00] =	vst v63  }
0x13: {  	_ = 	snop  }
0x14: {  	[tilespmem:s11], [sflag:$0x1] =	stream.indirect.gather [hbm4b:s3+s10], $0x40, s8, s10, $0xb8;
	[tilespmem:$0x14C00] =	vst v63  }
0x15: {  	_ = 	snop  }
0x16: {  	[tilespmem:s13], [sflag:$0x1] =	stream.indirect.gather [hbm4b:s3+s8], $0x40, s12, s8, $0xb8;
	[tilespmem:$0x14C00] =	vst v63  }
0x17: {  	s24 =	simm.s32 $0x0  }
0x18: {  	[tilespmem:s15], [sflag:$0x1] =	stream.indirect.gather [hbm4b:s3+s10], $0x40, s14, s10, $0xb8;
	[tilespmem:$0x14C00] =	vst v63  }
.LBB2_2:
0x19: {  	s25 =	sshllo.u32 s24, $0x1  }
0x1a: {  	s26 =	smul.u32 $0x640, s25;
	_ =	sdelay $0x1  }
0x1b: {  	s26 =	sshra.s32 s26, $0x2  }
0x1c: {  	[tilespmem:s16], [sflag:$0x2] =	stream.indirect.gather [hbm4b:s3+s8], $0x40, s26, s8, $0xb8;
	[tilespmem:$0x14C00] =	vst v63  }
0x1d: {  	s28 =	sadd.s32 $0x80, s26  }
0x1e: {  	[tilespmem:s17], [sflag:$0x2] =	stream.indirect.gather [hbm4b:s3+s10], $0x40, s28, s10, $0xb8;
	[tilespmem:$0x14C00] =	vst v63  }
0x1f: {  	s28 =	sadd.s32 $0xC8, s26  }
0x20: {  	[tilespmem:s18], [sflag:$0x2] =	stream.indirect.gather [hbm4b:s3+s8], $0x40, s28, s8, $0xb8;
	[tilespmem:$0x14C00] =	vst v63  }
0x21: {  	s26 =	sadd.s32 $0x148, s26  }
0x22: {  	[tilespmem:s19], [sflag:$0x2] =	stream.indirect.gather [hbm4b:s3+s10], $0x40, s26, s10, $0xb8;
	[tilespmem:$0x14C00] =	vst v63  }
0x23: {  	_ =	swait.ge [sflag:s20], $0x6400  }
0x24: {  	[sflag:s20] =	ssyncset.done $0x0  }
0x25: {  	s26 =	simm.s32 $0x0;
	[sflag:s20] =	ssyncadd.s32 $0xFFFF9C00  }
0x26: {  	v0 =	vld [tilespmem:s26+$0x65C0]  }
0x27: {  	v1 =	vld [tilespmem:s26+$0x65D0]  }
0x28: {  	v2 =	vld [tilespmem:s26+$0x6580]  }
0x29: {  	v3 =	vld [tilespmem:s26+$0x6590]  }
0x2a: {  	v4 =	vld [tilespmem:s26+$0x6540]  }
0x2b: {  	v5 =	vld [tilespmem:s26+$0x6550]  }
0x2c: {  	v6 =	vld [tilespmem:s26+$0x6500]  }
0x2d: {  	v7 =	vld [tilespmem:s26+$0x6510]  }
0x2e: {  	v9 =	vld [tilespmem:s26+$0x64C0]  }
0x2f: {  	v8 =	vld [tilespmem:s26+$0x64D0]  }
0x30: {  	v11 =	vld [tilespmem:s26+$0x6480]  }
0x31: {  	v10 =	vld [tilespmem:s26+$0x6490]  }
0x32: {  	v17 =	vld [tilespmem:s26+$0x6440]  }
0x33: {  	v16 =	vld [tilespmem:s26+$0x6450]  }
0x34: {  	v19 =	vld [tilespmem:s26+$0x6400]  }
0x35: {  	v12 =	vimm.f32 $0.0e+00;
	v20 =	vld [tilespmem:s26+$0x6410]  }
0x36: {  	v15 =	vimm.f32 $0.0e+00;
	v14 =	vimm.f32 $0.0e+00;
	v13 =	vimm.f32 $0.0e+00;
	s28 =	simm.s32 $0x800;
	v18 =	vld [tilespmem:s26+$0x6420]  }
.LBB2_3:
0x37: {  	p0 =	sne.s32 s28, $0xC000;
	v21 =	vld [tilespmem:s26+$0x6430]  }
0x38: {  	v22 =	vld [tilespmem:s26+$0x6460]  }
0x39: {  	v23 =	vld [tilespmem:s26+$0x6470]  }
0x3a: {  	v24 =	vld [tilespmem:s26+$0x64A0]  }
0x3b: {  	v12 =	vadd.f32 v19, v12;
	v15 =	vadd.f32 v20, v15;
	v19 =	vld [tilespmem:s26+$0x64B0]  }
0x3c: {  	v14 =	vadd.f32 v18, v14;
	v13 =	vadd.f32 v21, v13;
	v18 =	vld [tilespmem:s26+$0x64E0]  }
0x3d: {  	v12 =	vadd.f32 v17, v12;
	v15 =	vadd.f32 v16, v15;
	v16 =	vld [tilespmem:s26+$0x64F0]  }
0x3e: {  	v14 =	vadd.f32 v22, v14;
	v13 =	vadd.f32 v23, v13;
	v17 =	vld [tilespmem:s26+$0x6520]  }
0x3f: {  	v11 =	vadd.f32 v11, v12;
	v10 =	vadd.f32 v10, v15;
	v12 =	vld [tilespmem:s26+$0x6530]  }
0x40: {  	v14 =	vadd.f32 v24, v14;
	v13 =	vadd.f32 v19, v13;
	v15 =	vld [tilespmem:s26+$0x6560]  }
0x41: {  	v9 =	vadd.f32 v9, v11;
	v8 =	vadd.f32 v8, v10;
	v10 =	vld [tilespmem:s26+$0x6570]  }
0x42: {  	v11 =	vadd.f32 v18, v14;
	v13 =	vadd.f32 v16, v13;
	v14 =	vld [tilespmem:s26+$0x65A0]  }
0x43: {  	v6 =	vadd.f32 v6, v9;
	v7 =	vadd.f32 v7, v8;
	v8 =	vld [tilespmem:s26+$0x65B0]  }
0x44: {  	v9 =	vadd.f32 v17, v11;
	v11 =	vadd.f32 v12, v13;
	v13 =	vld [tilespmem:s26+$0x65E0]  }
0x45: {  	v4 =	vadd.f32 v4, v6;
	v5 =	vadd.f32 v5, v7;
	v6 =	vld [tilespmem:s26+$0x65F0];
	s26 =	sshra.s32 s28, $0x2  }
0x46: {  	v9 =	vadd.f32 v15, v9;
	v7 =	vld [tilespmem:s26+$0x65C0];
	v10 =	vadd.f32 v10, v11  }
0x47: {  	v4 =	vadd.f32 v2, v4;
	v5 =	vadd.f32 v3, v5;
	v11 =	vld [tilespmem:s26+$0x65D0]  }
0x48: {  	v9 =	vadd.f32 v14, v9;
	v2 =	vld [tilespmem:s26+$0x6580];
	v8 =	vadd.f32 v8, v10  }
0x49: {  	v12 =	vadd.f32 v0, v4;
	v15 =	vadd.f32 v1, v5;
	v3 =	vld [tilespmem:s26+$0x6590]  }
0x4a: {  	v14 =	vadd.f32 v13, v9;
	v4 =	vld [tilespmem:s26+$0x6540];
	v13 =	vadd.f32 v6, v8  }
0x4b: {  	v5 =	vld [tilespmem:s26+$0x6550];
	v0 =	vmov v7  }
0x4c: {  	v6 =	vld [tilespmem:s26+$0x6500];
	v1 =	vmov v11  }
0x4d: {  	v7 =	vld [tilespmem:s26+$0x6510]  }
0x4e: {  	v9 =	vld [tilespmem:s26+$0x64C0]  }
0x4f: {  	v8 =	vld [tilespmem:s26+$0x64D0]  }
0x50: {  	v11 =	vld [tilespmem:s26+$0x6480]  }
0x51: {  	v10 =	vld [tilespmem:s26+$0x6490]  }
.Ltmp0:
0x52: {  	v17 =	vld [tilespmem:s26+$0x6440];
	(pc) =	sbr.rel @p0 .LBB2_3-.Ltmp0, $4  }
0x53: {  	v16 =	vld [tilespmem:s26+$0x6450]  }
0x54: {  	v19 =	vld [tilespmem:s26+$0x6400]  }
0x55: {  	v20 =	vld [tilespmem:s26+$0x6410]  }
0x56: {  	s28 =	sadd.s32 $0x800, s28;
	v18 =	vld [tilespmem:s26+$0x6420]  }
0x57: {  	v21 =	vld [tilespmem:s26+$0x6430]  }
0x58: {  	v22 =	vld [tilespmem:s26+$0x6460]  }
0x59: {  	v23 =	vld [tilespmem:s26+$0x6470];
	v12 =	vadd.f32 v19, v12  }
0x5a: {  	v19 =	vld [tilespmem:s26+$0x64A0];
	v15 =	vadd.f32 v20, v15  }
0x5b: {  	v20 =	vld [tilespmem:s26+$0x64B0];
	v14 =	vadd.f32 v18, v14;
	v12 =	vadd.f32 v17, v12  }
0x5c: {  	v17 =	vld [tilespmem:s26+$0x64E0];
	v13 =	vadd.f32 v21, v13;
	v15 =	vadd.f32 v16, v15  }
0x5d: {  	v16 =	vld [tilespmem:s26+$0x64F0];
	v14 =	vadd.f32 v22, v14;
	v11 =	vadd.f32 v11, v12  }
0x5e: {  	v12 =	vadd.f32 v23, v13;
	v13 =	vld [tilespmem:s26+$0x6520];
	v10 =	vadd.f32 v10, v15  }
0x5f: {  	v15 =	vld [tilespmem:s26+$0x6530];
	v14 =	vadd.f32 v19, v14;
	v9 =	vadd.f32 v9, v11  }
0x60: {  	v11 =	vadd.f32 v20, v12;
	v12 =	vld [tilespmem:s26+$0x6560];
	v8 =	vadd.f32 v8, v10  }
0x61: {  	v10 =	vld [tilespmem:s26+$0x6570];
	v14 =	vadd.f32 v17, v14;
	v6 =	vadd.f32 v6, v9  }
0x62: {  	v9 =	vadd.f32 v16, v11;
	v11 =	vld [tilespmem:s26+$0x65A0];
	v7 =	vadd.f32 v7, v8  }
0x63: {  	v8 =	vld [tilespmem:s26+$0x65B0];
	v13 =	vadd.f32 v13, v14;
	v4 =	vadd.f32 v4, v6  }
0x64: {  	v6 =	vadd.f32 v15, v9;
	v9 =	vld [tilespmem:s26+$0x65E0];
	v5 =	vadd.f32 v5, v7  }
0x65: {  	v7 =	vld [tilespmem:s26+$0x65F0];
	v12 =	vadd.f32 v12, v13;
	v2 =	vadd.f32 v2, v4  }
0x66: {  	v4 =	vadd.f32 v10, v6;
	v3 =	vadd.f32 v3, v5  }
0x67: {  	v5 =	vadd.f32 v11, v12;
	v0 =	vadd.f32 v0, v2  }
0x68: {  	v2 =	vadd.f32 v8, v4;
	v1 =	vadd.f32 v1, v3  }
0x69: {  	s31 =	sshll.u32 s24, $0x8;
	v3 =	vadd.f32 v9, v5;
	v0 =	vmul.f32 $4.999999890e-03, v0  }
0x6a: {  	s26 =	sand.u32 $0x3FFFFF00, s31;
	v2 =	vadd.f32 v7, v2;
	v1 =	vmul.f32 $4.999999890e-03, v1  }
0x6b: {  	[tilespmem:s26+$0x12C00] =	vst v0;
	v0 =	vmul.f32 $4.999999890e-03, v3  }
0x6c: {  	[tilespmem:s26+$0x12C10] =	vst v1;
	v1 =	vmul.f32 $4.999999890e-03, v2  }
0x6d: {  	[tilespmem:s26+$0x12C20] =	vst v0  }
0x6e: {  	s28 =	simm.s32 $0x0;
	[tilespmem:s26+$0x12C30] =	vst v1  }
0x6f: {  	v0 =	vld [tilespmem:s28+$0x97C0]  }
0x70: {  	v1 =	vld [tilespmem:s28+$0x97D0]  }
0x71: {  	v2 =	vld [tilespmem:s28+$0x9780]  }
0x72: {  	v3 =	vld [tilespmem:s28+$0x9790]  }
0x73: {  	v4 =	vld [tilespmem:s28+$0x9740]  }
0x74: {  	v5 =	vld [tilespmem:s28+$0x9750]  }
0x75: {  	v6 =	vld [tilespmem:s28+$0x9700]  }
0x76: {  	v7 =	vld [tilespmem:s28+$0x9710]  }
0x77: {  	v9 =	vld [tilespmem:s28+$0x96C0]  }
0x78: {  	v8 =	vld [tilespmem:s28+$0x96D0]  }
0x79: {  	v11 =	vld [tilespmem:s28+$0x9680]  }
0x7a: {  	v10 =	vld [tilespmem:s28+$0x9690]  }
0x7b: {  	v17 =	vld [tilespmem:s28+$0x9640]  }
0x7c: {  	v16 =	vld [tilespmem:s28+$0x9650]  }
0x7d: {  	v19 =	vld [tilespmem:s28+$0x9600]  }
0x7e: {  	v14 =	vimm.f32 $0.0e+00;
	v20 =	vld [tilespmem:s28+$0x9610]  }
0x7f: {  	s29 =	simm.s32 $0x800;
	v15 =	vimm.f32 $0.0e+00;
	v13 =	vimm.f32 $0.0e+00;
	v12 =	vimm.f32 $0.0e+00;
	v18 =	vld [tilespmem:s28+$0x9620]  }
.LBB2_5:
0x80: {  	p0 =	sne.s32 s29, $0xC000;
	v21 =	vld [tilespmem:s28+$0x9630]  }
0x81: {  	v22 =	vld [tilespmem:s28+$0x9660]  }
0x82: {  	v23 =	vld [tilespmem:s28+$0x9670]  }
0x83: {  	v24 =	vld [tilespmem:s28+$0x96A0]  }
0x84: {  	v12 =	vadd.f32 v19, v12;
	v15 =	vadd.f32 v20, v15;
	v19 =	vld [tilespmem:s28+$0x96B0]  }
0x85: {  	v14 =	vadd.f32 v18, v14;
	v13 =	vadd.f32 v21, v13;
	v18 =	vld [tilespmem:s28+$0x96E0]  }
0x86: {  	v12 =	vadd.f32 v17, v12;
	v15 =	vadd.f32 v16, v15;
	v16 =	vld [tilespmem:s28+$0x96F0]  }
0x87: {  	v14 =	vadd.f32 v22, v14;
	v13 =	vadd.f32 v23, v13;
	v17 =	vld [tilespmem:s28+$0x9720]  }
0x88: {  	v11 =	vadd.f32 v11, v12;
	v10 =	vadd.f32 v10, v15;
	v12 =	vld [tilespmem:s28+$0x9730]  }
0x89: {  	v14 =	vadd.f32 v24, v14;
	v13 =	vadd.f32 v19, v13;
	v15 =	vld [tilespmem:s28+$0x9760]  }
0x8a: {  	v9 =	vadd.f32 v9, v11;
	v8 =	vadd.f32 v8, v10;
	v10 =	vld [tilespmem:s28+$0x9770]  }
0x8b: {  	v11 =	vadd.f32 v18, v14;
	v13 =	vadd.f32 v16, v13;
	v14 =	vld [tilespmem:s28+$0x97A0]  }
0x8c: {  	v6 =	vadd.f32 v6, v9;
	v7 =	vadd.f32 v7, v8;
	v8 =	vld [tilespmem:s28+$0x97B0]  }
0x8d: {  	v9 =	vadd.f32 v17, v11;
	v11 =	vadd.f32 v12, v13;
	v13 =	vld [tilespmem:s28+$0x97E0]  }
0x8e: {  	v4 =	vadd.f32 v4, v6;
	v5 =	vadd.f32 v5, v7;
	v6 =	vld [tilespmem:s28+$0x97F0];
	s28 =	sshra.s32 s29, $0x2  }
0x8f: {  	v9 =	vadd.f32 v15, v9;
	v7 =	vld [tilespmem:s28+$0x97C0];
	v10 =	vadd.f32 v10, v11  }
0x90: {  	v4 =	vadd.f32 v2, v4;
	v5 =	vadd.f32 v3, v5;
	v11 =	vld [tilespmem:s28+$0x97D0]  }
0x91: {  	v9 =	vadd.f32 v14, v9;
	v2 =	vld [tilespmem:s28+$0x9780];
	v8 =	vadd.f32 v8, v10  }
0x92: {  	v12 =	vadd.f32 v0, v4;
	v15 =	vadd.f32 v1, v5;
	v3 =	vld [tilespmem:s28+$0x9790]  }
0x93: {  	v14 =	vadd.f32 v13, v9;
	v4 =	vld [tilespmem:s28+$0x9740];
	v13 =	vadd.f32 v6, v8  }
0x94: {  	v5 =	vld [tilespmem:s28+$0x9750];
	v0 =	vmov v7  }
0x95: {  	v6 =	vld [tilespmem:s28+$0x9700];
	v1 =	vmov v11  }
0x96: {  	v7 =	vld [tilespmem:s28+$0x9710]  }
0x97: {  	v9 =	vld [tilespmem:s28+$0x96C0]  }
0x98: {  	v8 =	vld [tilespmem:s28+$0x96D0]  }
0x99: {  	v11 =	vld [tilespmem:s28+$0x9680]  }
0x9a: {  	v10 =	vld [tilespmem:s28+$0x9690]  }
.Ltmp1:
0x9b: {  	v17 =	vld [tilespmem:s28+$0x9640];
	(pc) =	sbr.rel @p0 .LBB2_5-.Ltmp1, $4  }
0x9c: {  	v16 =	vld [tilespmem:s28+$0x9650]  }
0x9d: {  	v19 =	vld [tilespmem:s28+$0x9600]  }
0x9e: {  	v20 =	vld [tilespmem:s28+$0x9610]  }
0x9f: {  	s29 =	sadd.s32 $0x800, s29;
	v18 =	vld [tilespmem:s28+$0x9620]  }
0xa0: {  	v21 =	vld [tilespmem:s28+$0x9630]  }
0xa1: {  	v22 =	vld [tilespmem:s28+$0x9660]  }
0xa2: {  	v23 =	vld [tilespmem:s28+$0x9670];
	v12 =	vadd.f32 v19, v12  }
0xa3: {  	v19 =	vld [tilespmem:s28+$0x96A0];
	v15 =	vadd.f32 v20, v15  }
0xa4: {  	v20 =	vld [tilespmem:s28+$0x96B0];
	v14 =	vadd.f32 v18, v14;
	v12 =	vadd.f32 v17, v12  }
0xa5: {  	v17 =	vld [tilespmem:s28+$0x96E0];
	v13 =	vadd.f32 v21, v13;
	v15 =	vadd.f32 v16, v15  }
0xa6: {  	v16 =	vld [tilespmem:s28+$0x96F0];
	v14 =	vadd.f32 v22, v14;
	v11 =	vadd.f32 v11, v12  }
0xa7: {  	v12 =	vadd.f32 v23, v13;
	v13 =	vld [tilespmem:s28+$0x9720];
	v10 =	vadd.f32 v10, v15  }
0xa8: {  	v15 =	vld [tilespmem:s28+$0x9730];
	v14 =	vadd.f32 v19, v14;
	v9 =	vadd.f32 v9, v11  }
0xa9: {  	v11 =	vadd.f32 v20, v12;
	v12 =	vld [tilespmem:s28+$0x9760];
	v8 =	vadd.f32 v8, v10  }
0xaa: {  	v10 =	vld [tilespmem:s28+$0x9770];
	v14 =	vadd.f32 v17, v14;
	v6 =	vadd.f32 v6, v9  }
0xab: {  	v9 =	vadd.f32 v16, v11;
	v11 =	vld [tilespmem:s28+$0x97A0];
	v7 =	vadd.f32 v7, v8  }
0xac: {  	v8 =	vld [tilespmem:s28+$0x97B0];
	v13 =	vadd.f32 v13, v14;
	v4 =	vadd.f32 v4, v6  }
0xad: {  	v6 =	vadd.f32 v15, v9;
	v9 =	vld [tilespmem:s28+$0x97E0];
	v5 =	vadd.f32 v5, v7  }
0xae: {  	v7 =	vld [tilespmem:s28+$0x97F0];
	v12 =	vadd.f32 v12, v13;
	v2 =	vadd.f32 v2, v4  }
0xaf: {  	v4 =	vadd.f32 v10, v6;
	v3 =	vadd.f32 v3, v5  }
0xb0: {  	v5 =	vadd.f32 v11, v12;
	v0 =	vadd.f32 v0, v2  }
0xb1: {  	v2 =	vadd.f32 v8, v4;
	v1 =	vadd.f32 v1, v3  }
0xb2: {  	v3 =	vadd.f32 v9, v5;
	v0 =	vmul.f32 $4.999999890e-03, v0  }
0xb3: {  	p0 =	seq.s32 s24, $0x1F;
	v2 =	vadd.f32 v7, v2;
	v1 =	vmul.f32 $4.999999890e-03, v1  }
0xb4: {  	s28 =	smul.u32 @!p0 $0xC80, s24;
	[tilespmem:s26+$0x12C40] =	vst v0;
	v0 =	vmul.f32 $4.999999890e-03, v3  }
0xb5: {  	[tilespmem:s26+$0x12C50] =	vst v1;
	v1 =	vmul.f32 $4.999999890e-03, v2  }
0xb6: {  	s28 =	sshra.s32 @!p0 s28, $0x2;
	[tilespmem:s26+$0x12C60] =	vst v0  }
0xb7: {  	s29 =	simm.s32 @!p0 $0x80;
	s30 =	simm.s32 @!p0 $0x6400;
	[tilespmem:s26+$0x12C70] =	vst v1;
	s26 =	sadd.s32 @!p0 $0x320, s28  }
0xb8: {  	[tilespmem:s30], [sflag:$0x1] =	stream.indirect.gather @!p0 [hbm4b:s3+s29], $0x40, s26, s29, $0xb8;
	[tilespmem:$0x14C00] =	vst v63  }
0xb9: {  	s31 =	simm.s32 @!p0 $0x8400;
	s26 =	sadd.s32 @!p0 $0x3A0, s28;
	s30 =	simm.s32 @!p0 $0x48  }
0xba: {  	[tilespmem:s31], [sflag:$0x1] =	stream.indirect.gather @!p0 [hbm4b:s3+s30], $0x40, s26, s30, $0xb8;
	[tilespmem:$0x14C00] =	vst v63  }
0xbb: {  	s26 =	sadd.s32 @!p0 $0x3E8, s28;
	s31 =	simm.s32 @!p0 $0x9600  }
0xbc: {  	[tilespmem:s31], [sflag:$0x1] =	stream.indirect.gather @!p0 [hbm4b:s3+s29], $0x40, s26, s29, $0xb8;
	[tilespmem:$0x14C00] =	vst v63  }
0xbd: {  	s26 =	sadd.s32 @!p0 $0x468, s28;
	s28 =	simm.s32 @!p0 $0xB600  }
0xbe: {  	[tilespmem:s28], [sflag:$0x1] =	stream.indirect.gather @!p0 [hbm4b:s3+s30], $0x40, s26, s30, $0xb8;
	[tilespmem:$0x14C00] =	vst v63  }
0xbf: {  	_ =	swait.ge [sflag:s21], $0x6400  }
0xc0: {  	[sflag:s21] =	ssyncset.done $0x0  }
0xc1: {  	s26 =	simm.s32 $0x0;
	[sflag:s21] =	ssyncadd.s32 $0xFFFF9C00  }
0xc2: {  	v0 =	vld [tilespmem:s26+$0xC9C0]  }
0xc3: {  	v1 =	vld [tilespmem:s26+$0xC9D0]  }
0xc4: {  	v2 =	vld [tilespmem:s26+$0xC980]  }
0xc5: {  	v3 =	vld [tilespmem:s26+$0xC990]  }
0xc6: {  	v4 =	vld [tilespmem:s26+$0xC940]  }
0xc7: {  	v5 =	vld [tilespmem:s26+$0xC950]  }
0xc8: {  	v6 =	vld [tilespmem:s26+$0xC900]  }
0xc9: {  	v7 =	vld [tilespmem:s26+$0xC910]  }
0xca: {  	v9 =	vld [tilespmem:s26+$0xC8C0]  }
0xcb: {  	v8 =	vld [tilespmem:s26+$0xC8D0]  }
0xcc: {  	v11 =	vld [tilespmem:s26+$0xC880]  }
0xcd: {  	v10 =	vld [tilespmem:s26+$0xC890]  }
0xce: {  	v17 =	vld [tilespmem:s26+$0xC840]  }
0xcf: {  	v16 =	vld [tilespmem:s26+$0xC850]  }
0xd0: {  	v19 =	vld [tilespmem:s26+$0xC800]  }
0xd1: {  	v14 =	vimm.f32 $0.0e+00;
	v20 =	vld [tilespmem:s26+$0xC810]  }
0xd2: {  	v15 =	vimm.f32 $0.0e+00;
	v13 =	vimm.f32 $0.0e+00;
	v12 =	vimm.f32 $0.0e+00;
	s28 =	simm.s32 $0x800;
	v18 =	vld [tilespmem:s26+$0xC820]  }
.LBB2_7:
0xd3: {  	p0 =	sne.s32 s28, $0xC000;
	v21 =	vld [tilespmem:s26+$0xC830]  }
0xd4: {  	v22 =	vld [tilespmem:s26+$0xC860]  }
0xd5: {  	v23 =	vld [tilespmem:s26+$0xC870]  }
0xd6: {  	v24 =	vld [tilespmem:s26+$0xC8A0]  }
0xd7: {  	v12 =	vadd.f32 v19, v12;
	v15 =	vadd.f32 v20, v15;
	v19 =	vld [tilespmem:s26+$0xC8B0]  }
0xd8: {  	v14 =	vadd.f32 v18, v14;
	v13 =	vadd.f32 v21, v13;
	v18 =	vld [tilespmem:s26+$0xC8E0]  }
0xd9: {  	v12 =	vadd.f32 v17, v12;
	v15 =	vadd.f32 v16, v15;
	v16 =	vld [tilespmem:s26+$0xC8F0]  }
0xda: {  	v14 =	vadd.f32 v22, v14;
	v13 =	vadd.f32 v23, v13;
	v17 =	vld [tilespmem:s26+$0xC920]  }
0xdb: {  	v11 =	vadd.f32 v11, v12;
	v10 =	vadd.f32 v10, v15;
	v12 =	vld [tilespmem:s26+$0xC930]  }
0xdc: {  	v14 =	vadd.f32 v24, v14;
	v13 =	vadd.f32 v19, v13;
	v15 =	vld [tilespmem:s26+$0xC960]  }
0xdd: {  	v9 =	vadd.f32 v9, v11;
	v8 =	vadd.f32 v8, v10;
	v10 =	vld [tilespmem:s26+$0xC970]  }
0xde: {  	v11 =	vadd.f32 v18, v14;
	v13 =	vadd.f32 v16, v13;
	v14 =	vld [tilespmem:s26+$0xC9A0]  }
0xdf: {  	v6 =	vadd.f32 v6, v9;
	v7 =	vadd.f32 v7, v8;
	v8 =	vld [tilespmem:s26+$0xC9B0]  }
0xe0: {  	v9 =	vadd.f32 v17, v11;
	v11 =	vadd.f32 v12, v13;
	v13 =	vld [tilespmem:s26+$0xC9E0]  }
0xe1: {  	v4 =	vadd.f32 v4, v6;
	v5 =	vadd.f32 v5, v7;
	v6 =	vld [tilespmem:s26+$0xC9F0];
	s26 =	sshra.s32 s28, $0x2  }
0xe2: {  	v9 =	vadd.f32 v15, v9;
	v7 =	vld [tilespmem:s26+$0xC9C0];
	v10 =	vadd.f32 v10, v11  }
0xe3: {  	v4 =	vadd.f32 v2, v4;
	v5 =	vadd.f32 v3, v5;
	v11 =	vld [tilespmem:s26+$0xC9D0]  }
0xe4: {  	v9 =	vadd.f32 v14, v9;
	v2 =	vld [tilespmem:s26+$0xC980];
	v8 =	vadd.f32 v8, v10  }
0xe5: {  	v12 =	vadd.f32 v0, v4;
	v15 =	vadd.f32 v1, v5;
	v3 =	vld [tilespmem:s26+$0xC990]  }
0xe6: {  	v14 =	vadd.f32 v13, v9;
	v4 =	vld [tilespmem:s26+$0xC940];
	v13 =	vadd.f32 v6, v8  }
0xe7: {  	v5 =	vld [tilespmem:s26+$0xC950];
	v0 =	vmov v7  }
0xe8: {  	v6 =	vld [tilespmem:s26+$0xC900];
	v1 =	vmov v11  }
0xe9: {  	v7 =	vld [tilespmem:s26+$0xC910]  }
0xea: {  	v9 =	vld [tilespmem:s26+$0xC8C0]  }
0xeb: {  	v8 =	vld [tilespmem:s26+$0xC8D0]  }
0xec: {  	v11 =	vld [tilespmem:s26+$0xC880]  }
0xed: {  	v10 =	vld [tilespmem:s26+$0xC890]  }
.Ltmp2:
0xee: {  	v17 =	vld [tilespmem:s26+$0xC840];
	(pc) =	sbr.rel @p0 .LBB2_7-.Ltmp2, $4  }
0xef: {  	v16 =	vld [tilespmem:s26+$0xC850]  }
0xf0: {  	v19 =	vld [tilespmem:s26+$0xC800]  }
0xf1: {  	v20 =	vld [tilespmem:s26+$0xC810]  }
0xf2: {  	s28 =	sadd.s32 $0x800, s28;
	v18 =	vld [tilespmem:s26+$0xC820]  }
0xf3: {  	v21 =	vld [tilespmem:s26+$0xC830]  }
0xf4: {  	v22 =	vld [tilespmem:s26+$0xC860]  }
0xf5: {  	v23 =	vld [tilespmem:s26+$0xC870];
	v12 =	vadd.f32 v19, v12  }
0xf6: {  	v19 =	vld [tilespmem:s26+$0xC8A0];
	v15 =	vadd.f32 v20, v15  }
0xf7: {  	v20 =	vld [tilespmem:s26+$0xC8B0];
	v14 =	vadd.f32 v18, v14;
	v12 =	vadd.f32 v17, v12  }
0xf8: {  	v17 =	vld [tilespmem:s26+$0xC8E0];
	v13 =	vadd.f32 v21, v13;
	v15 =	vadd.f32 v16, v15  }
0xf9: {  	v16 =	vld [tilespmem:s26+$0xC8F0];
	v14 =	vadd.f32 v22, v14;
	v11 =	vadd.f32 v11, v12  }
0xfa: {  	v12 =	vadd.f32 v23, v13;
	v13 =	vld [tilespmem:s26+$0xC920];
	v10 =	vadd.f32 v10, v15  }
0xfb: {  	v15 =	vld [tilespmem:s26+$0xC930];
	v14 =	vadd.f32 v19, v14;
	v9 =	vadd.f32 v9, v11  }
0xfc: {  	v11 =	vadd.f32 v20, v12;
	v12 =	vld [tilespmem:s26+$0xC960];
	v8 =	vadd.f32 v8, v10  }
0xfd: {  	v10 =	vld [tilespmem:s26+$0xC970];
	v14 =	vadd.f32 v17, v14;
	v6 =	vadd.f32 v6, v9  }
0xfe: {  	v9 =	vadd.f32 v16, v11;
	v11 =	vld [tilespmem:s26+$0xC9A0];
	v7 =	vadd.f32 v7, v8  }
0xff: {  	v8 =	vld [tilespmem:s26+$0xC9B0];
	v13 =	vadd.f32 v13, v14;
	v4 =	vadd.f32 v4, v6  }
0x100: {  	v6 =	vadd.f32 v15, v9;
	v9 =	vld [tilespmem:s26+$0xC9E0];
	v5 =	vadd.f32 v5, v7  }
0x101: {  	v7 =	vld [tilespmem:s26+$0xC9F0];
	v12 =	vadd.f32 v12, v13;
	v2 =	vadd.f32 v2, v4  }
0x102: {  	v4 =	vadd.f32 v10, v6;
	v3 =	vadd.f32 v3, v5  }
0x103: {  	v5 =	vadd.f32 v11, v12;
	v0 =	vadd.f32 v0, v2  }
0x104: {  	v2 =	vadd.f32 v8, v4;
	v1 =	vadd.f32 v1, v3  }
0x105: {  	s25 =	sshll.u32 s25, $0x7;
	v3 =	vadd.f32 v9, v5;
	v0 =	vmul.f32 $4.999999890e-03, v0  }
0x106: {  	s25 =	sand.u32 $0x3FFFFF80, s25;
	v2 =	vadd.f32 v7, v2;
	v1 =	vmul.f32 $4.999999890e-03, v1  }
0x107: {  	[tilespmem:s25+$0x12C00] =	vst v0;
	v0 =	vmul.f32 $4.999999890e-03, v3  }
0x108: {  	[tilespmem:s25+$0x12C10] =	vst v1;
	v1 =	vmul.f32 $4.999999890e-03, v2  }
0x109: {  	[tilespmem:s25+$0x12C20] =	vst v0  }
0x10a: {  	s26 =	simm.s32 $0x0;
	[tilespmem:s25+$0x12C30] =	vst v1  }
0x10b: {  	v0 =	vld [tilespmem:s26+$0xFBC0]  }
0x10c: {  	v1 =	vld [tilespmem:s26+$0xFBD0]  }
0x10d: {  	v2 =	vld [tilespmem:s26+$0xFB80]  }
0x10e: {  	v3 =	vld [tilespmem:s26+$0xFB90]  }
0x10f: {  	v4 =	vld [tilespmem:s26+$0xFB40]  }
0x110: {  	v5 =	vld [tilespmem:s26+$0xFB50]  }
0x111: {  	v6 =	vld [tilespmem:s26+$0xFB00]  }
0x112: {  	v7 =	vld [tilespmem:s26+$0xFB10]  }
0x113: {  	v9 =	vld [tilespmem:s26+$0xFAC0]  }
0x114: {  	v8 =	vld [tilespmem:s26+$0xFAD0]  }
0x115: {  	v11 =	vld [tilespmem:s26+$0xFA80]  }
0x116: {  	v10 =	vld [tilespmem:s26+$0xFA90]  }
0x117: {  	v17 =	vld [tilespmem:s26+$0xFA40]  }
0x118: {  	v16 =	vld [tilespmem:s26+$0xFA50]  }
0x119: {  	v19 =	vld [tilespmem:s26+$0xFA00]  }
0x11a: {  	v14 =	vimm.f32 $0.0e+00;
	v20 =	vld [tilespmem:s26+$0xFA10]  }
0x11b: {  	s28 =	simm.s32 $0x800;
	v15 =	vimm.f32 $0.0e+00;
	v13 =	vimm.f32 $0.0e+00;
	v12 =	vimm.f32 $0.0e+00;
	v18 =	vld [tilespmem:s26+$0xFA20]  }
.LBB2_9:
0x11c: {  	p0 =	sne.s32 s28, $0xC000;
	v21 =	vld [tilespmem:s26+$0xFA30]  }
0x11d: {  	v22 =	vld [tilespmem:s26+$0xFA60]  }
0x11e: {  	v23 =	vld [tilespmem:s26+$0xFA70]  }
0x11f: {  	v24 =	vld [tilespmem:s26+$0xFAA0]  }
0x120: {  	v12 =	vadd.f32 v19, v12;
	v15 =	vadd.f32 v20, v15;
	v19 =	vld [tilespmem:s26+$0xFAB0]  }
0x121: {  	v14 =	vadd.f32 v18, v14;
	v13 =	vadd.f32 v21, v13;
	v18 =	vld [tilespmem:s26+$0xFAE0]  }
0x122: {  	v12 =	vadd.f32 v17, v12;
	v15 =	vadd.f32 v16, v15;
	v16 =	vld [tilespmem:s26+$0xFAF0]  }
0x123: {  	v14 =	vadd.f32 v22, v14;
	v13 =	vadd.f32 v23, v13;
	v17 =	vld [tilespmem:s26+$0xFB20]  }
0x124: {  	v11 =	vadd.f32 v11, v12;
	v10 =	vadd.f32 v10, v15;
	v12 =	vld [tilespmem:s26+$0xFB30]  }
0x125: {  	v14 =	vadd.f32 v24, v14;
	v13 =	vadd.f32 v19, v13;
	v15 =	vld [tilespmem:s26+$0xFB60]  }
0x126: {  	v9 =	vadd.f32 v9, v11;
	v8 =	vadd.f32 v8, v10;
	v10 =	vld [tilespmem:s26+$0xFB70]  }
0x127: {  	v11 =	vadd.f32 v18, v14;
	v13 =	vadd.f32 v16, v13;
	v14 =	vld [tilespmem:s26+$0xFBA0]  }
0x128: {  	v6 =	vadd.f32 v6, v9;
	v7 =	vadd.f32 v7, v8;
	v8 =	vld [tilespmem:s26+$0xFBB0]  }
0x129: {  	v9 =	vadd.f32 v17, v11;
	v11 =	vadd.f32 v12, v13;
	v13 =	vld [tilespmem:s26+$0xFBE0]  }
0x12a: {  	v4 =	vadd.f32 v4, v6;
	v5 =	vadd.f32 v5, v7;
	v6 =	vld [tilespmem:s26+$0xFBF0];
	s26 =	sshra.s32 s28, $0x2  }
0x12b: {  	v9 =	vadd.f32 v15, v9;
	v7 =	vld [tilespmem:s26+$0xFBC0];
	v10 =	vadd.f32 v10, v11  }
0x12c: {  	v4 =	vadd.f32 v2, v4;
	v5 =	vadd.f32 v3, v5;
	v11 =	vld [tilespmem:s26+$0xFBD0]  }
0x12d: {  	v9 =	vadd.f32 v14, v9;
	v2 =	vld [tilespmem:s26+$0xFB80];
	v8 =	vadd.f32 v8, v10  }
0x12e: {  	v12 =	vadd.f32 v0, v4;
	v15 =	vadd.f32 v1, v5;
	v3 =	vld [tilespmem:s26+$0xFB90]  }
0x12f: {  	v14 =	vadd.f32 v13, v9;
	v4 =	vld [tilespmem:s26+$0xFB40];
	v13 =	vadd.f32 v6, v8  }
0x130: {  	v5 =	vld [tilespmem:s26+$0xFB50];
	v0 =	vmov v7  }
0x131: {  	v6 =	vld [tilespmem:s26+$0xFB00];
	v1 =	vmov v11  }
0x132: {  	v7 =	vld [tilespmem:s26+$0xFB10]  }
0x133: {  	v9 =	vld [tilespmem:s26+$0xFAC0]  }
0x134: {  	v8 =	vld [tilespmem:s26+$0xFAD0]  }
0x135: {  	v11 =	vld [tilespmem:s26+$0xFA80]  }
0x136: {  	v10 =	vld [tilespmem:s26+$0xFA90]  }
.Ltmp3:
0x137: {  	v17 =	vld [tilespmem:s26+$0xFA40];
	(pc) =	sbr.rel @p0 .LBB2_9-.Ltmp3, $4  }
0x138: {  	v16 =	vld [tilespmem:s26+$0xFA50]  }
0x139: {  	v19 =	vld [tilespmem:s26+$0xFA00]  }
0x13a: {  	v20 =	vld [tilespmem:s26+$0xFA10]  }
0x13b: {  	s28 =	sadd.s32 $0x800, s28;
	v18 =	vld [tilespmem:s26+$0xFA20]  }
0x13c: {  	v21 =	vld [tilespmem:s26+$0xFA30]  }
0x13d: {  	v22 =	vld [tilespmem:s26+$0xFA60]  }
0x13e: {  	v23 =	vld [tilespmem:s26+$0xFA70];
	v12 =	vadd.f32 v19, v12  }
0x13f: {  	v42 =	vld [tilespmem:s26+$0xFAA0];
	v15 =	vadd.f32 v20, v15  }
0x140: {  	v43 =	vld [tilespmem:s26+$0xFAB0];
	v14 =	vadd.f32 v18, v14;
	v12 =	vadd.f32 v17, v12  }
0x141: {  	v44 =	vld [tilespmem:s26+$0xFAE0];
	v13 =	vadd.f32 v21, v13;
	v15 =	vadd.f32 v16, v15  }
0x142: {  	v45 =	vld [tilespmem:s26+$0xFAF0];
	v14 =	vadd.f32 v22, v14;
	v11 =	vadd.f32 v11, v12  }
0x143: {  	v47 =	vld [tilespmem:s26+$0xFB20];
	v46 =	vadd.f32 v23, v13;
	v10 =	vadd.f32 v10, v15  }
0x144: {  	v48 =	vld [tilespmem:s26+$0xFB30];
	v14 =	vadd.f32 v42, v14;
	v9 =	vadd.f32 v9, v11  }
0x145: {  	v50 =	vld [tilespmem:s26+$0xFB60];
	v49 =	vadd.f32 v43, v46;
	v8 =	vadd.f32 v8, v10  }
0x146: {  	v51 =	vld [tilespmem:s26+$0xFB70];
	v14 =	vadd.f32 v44, v14;
	v6 =	vadd.f32 v6, v9  }
0x147: {  	v53 =	vld [tilespmem:s26+$0xFBA0];
	v52 =	vadd.f32 v45, v49;
	v7 =	vadd.f32 v7, v8  }
0x148: {  	v54 =	vld [tilespmem:s26+$0xFBB0];
	v13 =	vadd.f32 v47, v14;
	v4 =	vadd.f32 v4, v6  }
0x149: {  	v56 =	vld [tilespmem:s26+$0xFBE0];
	v55 =	vadd.f32 v48, v52;
	v5 =	vadd.f32 v5, v7  }
0x14a: {  	v57 =	vld [tilespmem:s26+$0xFBF0];
	v12 =	vadd.f32 v50, v13;
	v2 =	vadd.f32 v2, v4  }
0x14b: {  	v58 =	vadd.f32 v51, v55;
	v3 =	vadd.f32 v3, v5  }
0x14c: {  	v59 =	vadd.f32 v53, v12;
	v0 =	vadd.f32 v0, v2  }
0x14d: {  	s24 =	sadd.s32 $0x1, s24;
	v60 =	vadd.f32 v54, v58;
	v1 =	vadd.f32 v1, v3  }
0x14e: {  	p0 =	sne.s32 s24, $0x20;
	v61 =	vadd.f32 v56, v59;
	v0 =	vmul.f32 $4.999999890e-03, v0  }
.Ltmp4:
0x14f: {  	v2 =	vadd.f32 v57, v60;
	v1 =	vmul.f32 $4.999999890e-03, v1;
	(pc) =	sbr.rel @p0 .LBB2_2-.Ltmp4, $4  }
0x150: {  	[tilespmem:s25+$0x12C40] =	vst v0;
	v62 =	vmul.f32 $4.999999890e-03, v61  }
0x151: {  	[tilespmem:s25+$0x12C50] =	vst v1;
	v63 =	vmul.f32 $4.999999890e-03, v2  }
0x152: {  	[tilespmem:s25+$0x12C60] =	vst v62  }
0x153: {  	[tilespmem:s25+$0x12C70] =	vst v63  }
0x154: {  	s23 =	sadd.s32 $0x1, s23  }
0x155: {  	p0 =	sne.s32 s23, s6  }
.Ltmp5:
0x156: {  	_ = 	snop;
	(pc) =	sbr.rel @p0 .LBB2_1-.Ltmp5, $4  }
0x157: {  	[hbm4b:s5+s2] =	stream.linear.scatter [tilespmem:s22], [sflag:$0x3], $0x2000, $0x38;
	[tilespmem:$0x14C00] =	vst v63  }
0x158: {  	_ =	swait.ge [sflag:s7], $0x2000  }
0x159: {  	[sflag:s7] =	ssyncset.done $0x0  }
0x15a: {  	[sflag:s7] =	ssyncadd.s32 $0xFFFFE000  }
0x15b: {  	_ =	sfence.sel $0x180000  }
0x15c: {  	[bflag:$0x0] =	sbarrier.arrive $0xFFFF  }
0x15d: {  	p0 =	sne.s32 s0, $0x0;
	_ =	strace $0x9000004A  }
0x15e: {  	s0 =	sadd.s32 @!p0 $0x100000, s1;
	[bflag:$0x2] =	sbarrier.arrive $0xFFFF  }
0x15f: {  	[sflag:s0] =	ssyncadd.tile.s32 @!p0 $0x1;
	_ =	shalt  }
.Lfunc_end2:
_tile_overlayer_lowered:
.L_overlay_start_2:
0x160: {  	(tag) =	ssettag $0x2  }
0x161: {  	s0 =	rddreg [dreg:$0x0];
	s2 =	stileid.u32  }
0x162: {  	s1 =	rddreg [dreg:$0x1];
	p0 =	sne.s32 s2, $0x0  }
0x163: {  	s3 =	rddreg [dreg:$0x2];
	[bflag:$0x3] =	sbarrier.arrive $0xFFFF;
	s2 =	simm.s32 @!p0 $0x1C03  }
0x164: {  	[timem:s3], [sflag:s2] =	dma.local @!p0 [hbm:s0], s1  }
0x165: {  	s0 =	simm.s32 @!p0 $0x3  }
0x166: {  	_ =	swait.ge @!p0 [sflag:s0], s1  }
0x167: {  	s1 =	ssub.s32 @!p0 $0x0, s1;
	[sflag:s0] =	ssyncset.done @!p0 $0x0  }
0x168: {  	[sflag:s0] =	ssyncadd.s32 @!p0 s1  }
0x169: {  	[bflag:$0x3] =	sbarrier.arrive $0xFFFF  }
0x16a: {  	_ =	shalt  }

// kernel: sparse-core-data-format-call.cloned.1.call-start
scs
called_computation_lowered:
.L_overlay_start_0:
0x0: {  	s2 =	sld [smem:$0x3FD9]  }
0x1: {  	s3 =	sld [smem:$0x3FFE];
	_ =	sdelay $0x1  }
0x2: {  	s1 =	srdreg.scid  }
0x3: {  	s0 =	sand.u32 $0x1, s1  }
0x4: {  	s18 =	sshll.u32 s0, $0xA;
	s2 =	sadd.s32 s3, s2  }
0x5: {  	s2 =	sadd.s32 s2, s18  }
0x6: {  	[smem:$0x3FC6] =	sst s2  }
0x7: {  	_ = 	snop  }
0x8: {  	s2 =	sld [smem:$0x3FC8];
	(tm) =	ssettm $0x1  }
0x9: {  	s19 =	sld [smem:$0x3FFB];
	_ =	sdelay $0x3  }
0xa: {  	_ =	strace s19  }
0xb: {  	s3 =	sld [smem:$0x3FFC];
	_ =	sdelay $0x3  }
0xc: {  	_ =	strace s3  }
0xd: {  	s3 =	sld [smem:$0x3FFD];
	_ =	sdelay $0x3  }
0xe: {  	_ =	strace s3  }
0xf: {  	_ =	strace $0x8FFFFFFF  }
0x10: {  	s20 =	sld [smem:$0x3FDB];
	_ =	sdelay $0x1  }
0x11: {  	s4 =	simm.s32 $_scs_section_size  }
0x12: {  	s5 =	simm.s32 $_size__tile_overlayer_lowered;
	s6 =	simm.s32 $_tile_overlayer_lowered  }
0x13: {  	s23 =	simm.s32 $0x1BFF;
	s22 =	sshll.u32 s6, $0x1;
	s3 =	sadd.s32 s4, s20  }
0x14: {  	s7 =	simm.s32 $0x0;
	s21 =	sshll.u32 s5, $0x1;
	s5 =	sadd.s32 s22, s3  }
0x15: {  	[timem:s7], [sflag:s23] =	dma.local [hbm:s5], s21  }
0x16: {  	_ =	swait.ge [sflag:s23], s21  }
0x17: {  	s4 =	ssub.s32 $0x0, s21;
	[sflag:s23] =	ssyncset.done $0x0  }
0x18: {  	[sflag:s23] =	ssyncadd.s32 s4;
	_ =	sdelay $0x1  }
0x19: {  	s24 =	simm.s32 $0x1B8B  }
0x1a: {  	_ =	swait.ge [sflag:s24], $0x1  }
0x1b: {  	[sflag:s24] =	ssyncset.done $0x0  }
0x1c: {  	s26 =	simm.s32 $0x1B8E;
	s25 =	sld [smem:$0x3FFE];
	[sflag:s24] =	ssyncadd.s32 $0xFFFFFFFF  }
0x1d: {  	s27 =	simm.s32 $execute0_lowered;
	[smem:$0x3FD2] =	sst s26  }
0x1e: {  	s5 =	sshll.u32 s27, $0x1;
	_ =	strace $0x80000046;
	[dreg:$0x1] =	wrdreg $0xFFFFFFFF  }
0x1f: {  	s28 =	simm.s32 $_size_execute0_lowered;
	s3 =	sadd.s32 s3, s5;
	[dreg:$0x0] =	wrdreg $0x0  }
0x20: {  	s5 =	sshll.u32 s28, $0x1;
	[dreg:$0x2] =	wrdreg s3  }
0x21: {  	[dreg:$0x3] =	wrdreg s5  }
0x22: {  	[dreg:$0x4] =	wrdreg $0xC0  }
0x23: {  	_ =	task [dreg:s7], $0x5FFFF  }
0x24: {  	[dreg:$0x1] =	wrdreg $0xFFFFFFFF  }
0x25: {  	[dreg:$0x0] =	wrdreg $0x60  }
0x26: {  	[dreg:$0x2] =	wrdreg s2  }
0x27: {  	[dreg:$0x3] =	wrdreg s25  }
0x28: {  	[dreg:$0x4] =	wrdreg $0x9  }
0x29: {  	_ =	task.clear_ibuf [dreg:s7], $0x5FFFF;
	_ =	strace $0x90000046  }
0x2a: {  	s29 =	simm.s32 $0x9;
	_ =	strace $0x80000048  }
0x2b: {  	_ =	swait.ge [sflag:s29], $0x1  }
0x2c: {  	[sflag:s29] =	ssyncadd.s32 $0xFFFFFFFF  }
0x2d: {  	_ =	strace $0x90000048  }
0x2e: {  	_ =	sfence  }
0x2f: {  	s30 =	sld [smem:$0x0];
	_ =	sdelay $0x2  }
0x30: {  	s31 =	sshll.u32 s1, $0xD;
	s1 =	sshrl.u32 s1, $0x2  }
0x31: {  	s3 =	sand.u32 $0x4000, s31;
	s1 =	sadd.s32 s1, s30  }
0x32: {  	s0 =	sor.u32 s3, s0;
	s1 =	sshll.u32 s1, $0x11  }
0x33: {  	s0 =	sor.u32 s1, s0  }
0x34: {  	s0 =	sadd.s32 $0x8F2B, s0  }
0x35: {  	[sflag:s0] =	ssyncadd.remote.s32 $0x1  }
0x36: {  	_ =	sfence.sel $0xFFFF  }
0x37: {  	[dreg:$0x0] =	wrdreg $0xFFFFFFFF;
	(pc) =	sbr.abs _section_cstart, $3  }
0x38: {  	[dreg:$0x1] =	wrdreg $0xFFFFFFFF  }
0x39: {  	_ =	task.clear_ibuf [dreg:s7], $0x2FFFF;
	_ =	strace $0x9FFFFFFF  }
0x3a: {  	(tm) =	ssettm $0x7FFFFFFF  }
0x3b: {  	_ =	shalt  }
tec
execute0_lowered:
.L_overlay_start_1:
0x0: {  	(tag) =	ssettag $0x1  }
0x1: {  	s0 =	srdreg.scid;
	s2 =	rddreg [dreg:$0x0]  }
0x2: {  	s5 =	rddreg [dreg:$0x1];
	s1 =	stileid.u32  }
0x3: {  	s4 =	simm.s32 $0x1;
	s6 =	simm.s32 $0x2;
	s15 =	simm.s32 $0x0  }
0x4: {  	p0 =	por $0x0, $0x0;
	s8 =	simm.s32 $0x80;
	s0 =	sshll.u32 s0, $0x4  }
0x5: {  	s14 =	simm.s32 $0x0;
	s9 =	simm.s32 $0x0;
	s3 =	sand.u32 $0x10, s0  }
.Ltmp0:
0x6: {  	s10 =	simm.s32 $0x0;
	s3 =	sor.u32 s1, s3;
	(pc) =	sbr.rel .LBB1_1-.Ltmp0, $4  }
0x7: {  	s0 =	rddreg [dreg:$0x2];
	_ =	strace $0x80000047;
	s3 =	sshll.u32 s3, $0x7  }
0x8: {  	s12 =	simm.s32 $0x0;
	[sflag:s4] =	ssyncpa.u1 $0x0;
	s7 =	ssub.s32 $0xF4200, s3  }
0x9: {  	s13 =	simm.s32 $0x0;
	[sflag:s6] =	ssyncpa.u1 $0x0;
	s6 =	sshrl.u32 s7, $0xC  }
0xa: {  	s5 =	sadd.s32 $0xA00, s5;
	s11 =	smov.u32 s3;
	s7 =	sadd.s32 $0x2, s6  }
.LBB1_5:
0xb: {  	p1 =	slt.u32 s13, $0x2  }
0xc: {  	s17 =	smov.u32 s15;
	p2 =	sgt.s32 @!p1 s15, $0xF41C0;
	s16 =	sshra.s32 @!p1 s15, $0x1F  }
0xd: {  	p3 =	sgt.s32 @!p1 s14, $0x40;
	s18 =	sshra.s32 @!p1 s14, $0x1F;
	p2 =	por !p2, p1  }
0xe: {  	s15 =	sand.u32 @!p1 s16, s15;
	p3 =	por !p3, p1;
	s16 =	smov.u32 s14  }
0xf: {  	s14 =	sand.u32 @!p1 s18, s14;
	s17 =	simm.s32 @p2 $0xF41C0;
	s16 =	simm.s32 @p3 $0x40  }
0x10: {  	s15 =	ssub.s32 @!p1 s17, s15;
	s14 =	ssub.s32 @!p1 s16, s14  }
0x11: {  	s18 =	smov.u32 s12;
	s16 =	sadd.s32 @!p1 $0xFFF0BE40, s15;
	s17 =	sadd.s32 @!p1 $0xFFFFFFC0, s14  }
0x12: {  	s15 =	ssub.s32 @!p1 $0xF4240, s15;
	p2 =	sgt.s32 @!p1 s16, $0x7F;
	p3 =	sgt.s32 @!p1 s17, $0x3F  }
0x13: {  	s14 =	ssub.s32 @!p1 $0x80, s14;
	p2 =	por !p2, p1;
	p3 =	por !p3, p1  }
0x14: {  	s16 =	sadd.s32 $0x1000, s11;
	s15 =	simm.s32 @!p2 $0x0;
	s14 =	simm.s32 @!p3 $0x0  }
0x15: {  	p2 =	sgt.s32 s16, $0xF423F;
	s14 =	smul.u32 @!p1 s14, s15;
	s15 =	sadd.s32 $0x40, s12  }
0x16: {  	s18 =	smov.u32 @p2 s15  }
0x17: {  	s16 =	smov.u32 @p2 s3;
	p2 =	sgt.s32 s18, $0x3F  }
0x18: {  	s18 =	simm.s32 @p2 $0x0;
	p2 =	sne.s32 s13, s7  }
.Ltmp1:
0x19: {  	p0 =	por !p0, !p0;
	s17 =	simm.s32 @!p1 $0x2;
	(pc) =	sbr.rel @!p2 .LBB1_6-.Ltmp1, $4  }
0x1a: {  	s15 =	smov.u32 s9;
	s9 =	smov.u32 s11;
	s14 =	sand.u32 @!p1 $0x3FFFFFFF, s14  }
0x1b: {  	s11 =	smov.u32 s16;
	_ =	swait.ge @!p1 [sflag:s17], s14;
	s19 =	ssub.s32 @!p1 $0x0, s14  }
0x1c: {  	s14 =	smov.u32 s10;
	s13 =	sadd.s32 $0x1, s13;
	[sflag:s17] =	ssyncset.done @!p1 $0x0  }
0x1d: {  	s10 =	smov.u32 s12;
	s12 =	smov.u32 s18;
	[sflag:s17] =	ssyncadd.s32 @!p1 s19  }
.LBB1_1:
0x1e: {  	p1 =	sgt.u32 s13, s6  }
0x1f: {  	s16 =	sshrl.u32 @!p1 s12, $0x3  }
0x20: {  	s17 =	sshll.u32 @!p1 s11, $0x3;
	s16 =	smul.u32 @!p1 $0x7A1400, s16  }
0x21: {  	s18 =	sshll.u32 @!p1 s12, $0x7;
	s17 =	sand.u32 @!p1 $0xFFFFFC00, s17  }
0x22: {  	s16 =	sadd.s32 @!p1 s16, s17;
	s17 =	sand.u32 @!p1 $0x380, s18  }
0x23: {  	s18 =	sand.u32 @!p1 $0x7F, s11;
	s16 =	sor.u32 @!p1 s17, s16  }
0x24: {  	s17 =	sor.u32 @!p1 s18, s16  }
0x25: {  	s18 =	smulhi.u32 @!p1 $0x218D6287, s17;
	_ =	sdelay $0x1  }
0x26: {  	s16 =	smulhi.u32 @!p1 $0x218D6287, s16;
	s18 =	sshrl.u32 @!p1 s18, $0x11  }
0x27: {  	s18 =	smul.u32 @!p1 $0xF4280, s18  }
0x28: {  	s19 =	sxor.u32 @!p1 $0xFFFFFFFF, s13;
	s16 =	sshrl.u32 @!p1 s16, $0x11  }
0x29: {  	s19 =	sshll.u32 @!p1 s19, $0xD;
	s16 =	sand.u32 @!p1 $0x3F, s16;
	s17 =	ssub.s32 @!p1 s17, s18  }
0x2a: {  	s16 =	smul.u32 @!p1 $0x1E850, s16;
	s18 =	sshrl.u32 @!p1 s17, $0x3;
	s17 =	sand.u32 @!p1 $0x7, s17  }
0x2b: {  	s19 =	sand.u32 @!p1 $0x2000, s19;
	s18 =	sadd.s32 @!p1 s2, s18;
	s17 =	sshll.u32 @!p1 s17, $0x12  }
0x2c: {  	s16 =	sadd.s32 @!p1 s16, s18;
	s17 =	sor.u32 @!p1 $0x400, s17;
	s18 =	simm.s32 @!p1 $0x7A1400  }
0x2d: {  	[tilespmem:s19], [sflag:$0x1] =	stream.strided.gather @!p1 [hbm4b:s16+s17], $0x2000, s18, s17, $0x38;
	[tilespmem:$0x8100] =	vst v63  }
0x2e: {  	p1 =	seq.s32 s13, $0x0  }
0x2f: {  	p2 =	sge.u32 @!p1 s13, s7  }
0x30: {  	p1 =	por p1, p2  }
.Ltmp2:
0x31: {  	_ = 	snop;
	(pc) =	sbr.rel @p1 .LBB1_5-.Ltmp2, $1  }
0x32: {  	_ =	sdelay $0x3  }
0x33: {  	s16 =	simm.s32 $0x1  }
0x34: {  	_ =	swait.ge [sflag:s4], $0x2000;
	s16 =	simm.s32 @!p0 $0x0  }
0x35: {  	[sflag:s4] =	ssyncset.done $0x0;
	s17 =	sshll.u32 s16, $0xD  }
0x36: {  	[sflag:s4] =	ssyncadd.s32 $0xFFFFE000;
	s17 =	sor.u32 $0x40, s17  }
0x37: {  	s16 =	smul.u32 $0x8200, s16;
	v0 =	vld [tilespmem:s17+$0x30]  }
0x38: {  	v1 =	vld [tilespmem:s17+$0xFFFFFFD0]  }
0x39: {  	s16 =	sshrl.u32 s16, $0x2;
	v5 =	vld [tilespmem:s17+$0xFFFFFFE0]  }
0x3a: {  	v6 =	vld [tilespmem:s17+$0xFFFFFFF0];
	s19 =	sor.u32 $0x4000, s16  }
0x3b: {  	s31 =	sand.u32 $0x1, s13;
	v4 =	vld [tilespmem:s17+$0x0];
	s18 =	sadd.s32 $0x0, s19  }
0x3c: {  	v3 =	vld [tilespmem:s17+$0x10];
	s16 =	smul.u32 $0x8200, s31;
	[tilespmem:s18+$0x1C70 ss:$0x41] =	vst.msk $0xffff, v0  }
0x3d: {  	v2 =	vld [tilespmem:s17+$0x20];
	[tilespmem:s18+$0x410 ss:$0x41] =	vst.msk $0xffff, v1  }
0x3e: {  	s16 =	sshrl.u32 s16, $0x2;
	v1 =	vld [tilespmem:s17+$0xFFFFFFC0];
	[tilespmem:s18+$0x820 ss:$0x41] =	vst.msk $0xffff, v5;
	s17 =	sadd.s32 $0x80, s17  }
0x3f: {  	s20 =	simm.s32 $0x4;
	s21 =	simm.s32 $0x8;
	s16 =	sor.u32 $0x4000, s16;
	[tilespmem:s18+$0xC30 ss:$0x41] =	vst.msk $0xffff, v6;
	v0 =	vld [tilespmem:s17+$0x30]  }
.LBB1_3:
0x40: {  	p1 =	sne.s32 s21, $0xFC;
	v5 =	vld [tilespmem:s17+$0xFFFFFFD0];
	[tilespmem:s18+$0x1040 ss:$0x41] =	vst.msk $0xffff, v4  }
0x41: {  	v6 =	vld [tilespmem:s17+$0xFFFFFFE0];
	[tilespmem:s18+$0x1450 ss:$0x41] =	vst.msk $0xffff, v3  }
0x42: {  	s22 =	sshra.s32 s20, $0x2;
	s20 =	smov.u32 s21;
	v7 =	vld [tilespmem:s17+$0xFFFFFFF0];
	[tilespmem:s18+$0x1860 ss:$0x41] =	vst.msk $0xffff, v2  }
.Ltmp3:
0x43: {  	v4 =	vld [tilespmem:s17+$0x0];
	[tilespmem:s18+$0x0 ss:$0x41] =	vst.msk $0xffff, v1;
	s18 =	sadd.s32 s22, s19;
	(pc) =	sbr.rel @p1 .LBB1_3-.Ltmp3, $4  }
0x44: {  	v3 =	vld [tilespmem:s17+$0x10];
	[tilespmem:s18+$0x1C70 ss:$0x41] =	vst.msk $0xffff, v0  }
0x45: {  	[tilespmem:s18+$0x410 ss:$0x41] =	vst.msk $0xffff, v5;
	v2 =	vld [tilespmem:s17+$0x20]  }
0x46: {  	v1 =	vld [tilespmem:s17+$0xFFFFFFC0];
	[tilespmem:s18+$0x820 ss:$0x41] =	vst.msk $0xffff, v6;
	s17 =	sadd.s32 $0x80, s17  }
0x47: {  	s21 =	sadd.s32 $0x4, s21;
	v0 =	vld [tilespmem:s17+$0x30];
	[tilespmem:s18+$0xC30 ss:$0x41] =	vst.msk $0xffff, v7  }
0x48: {  	s21 =	sshll.u32 s9, $0x7;
	s22 =	sshll.u32 s10, $0x3;
	s20 =	sshra.s32 s20, $0x2  }
0x49: {  	p1 =	sgt.s32 s9, $0xF41C0;
	s30 =	sshra.s32 s9, $0x1F;
	s25 =	sshra.s32 s10, $0x1F  }
0x4a: {  	v5 =	vld [tilespmem:s17+$0xFFFFFFD0];
	s28 =	sshrl.u32 s10, $0x3;
	s23 =	sand.u32 $0xFFFFFC00, s21;
	s22 =	sand.u32 $0xFFFFFC00, s22  }
0x4b: {  	[tilespmem:s18+$0x1040 ss:$0x41] =	vst.msk $0xffff, v4;
	v58 =	vld [tilespmem:s17+$0xFFFFFFE0];
	s21 =	sand.u32 $0x380, s21;
	s19 =	sadd.s32 s20, s19;
	s22 =	sadd.s32 s22, s23  }
0x4c: {  	v59 =	vld [tilespmem:s17+$0xFFFFFFF0];
	[tilespmem:s18+$0x1450 ss:$0x41] =	vst.msk $0xffff, v3;
	s29 =	sor.u32 s21, s22;
	s21 =	smov.u32 s9;
	s22 =	sand.u32 s30, s9  }
0x4d: {  	v60 =	vld [tilespmem:s17+$0x0];
	[tilespmem:s18+$0x1860 ss:$0x41] =	vst.msk $0xffff, v2;
	s30 =	sand.u32 $0x7, s10;
	s20 =	sshrl.u32 s29, $0x7;
	s21 =	simm.s32 @!p1 $0xF41C0  }
0x4e: {  	v61 =	vld [tilespmem:s17+$0x10];
	[tilespmem:s18+$0x0 ss:$0x41] =	vst.msk $0xffff, v1;
	p1 =	sgt.s32 s10, $0x40;
	s24 =	ssub.s32 s21, s22;
	s21 =	smov.u32 s10  }
0x4f: {  	v62 =	vld [tilespmem:s17+$0x20];
	[tilespmem:s19+$0x1C70 ss:$0x41] =	vst.msk $0xffff, v0;
	s31 =	smulhi.u32 $0x218DEF5, s20;
	s22 =	sand.u32 s25, s10;
	s21 =	simm.s32 @!p1 $0x40  }
0x50: {  	v63 =	vld [tilespmem:s17+$0xFFFFFFC0];
	[tilespmem:s19+$0x410 ss:$0x41] =	vst.msk $0xffff, v5;
	s26 =	sadd.s32 $0xFFF0BE40, s24;
	s17 =	ssub.s32 $0xF4240, s24;
	s21 =	ssub.s32 s21, s22  }
0x51: {  	[tilespmem:s19+$0x820 ss:$0x41] =	vst.msk $0xffff, v58;
	s23 =	sshrl.u32 s31, $0xD;
	p1 =	sgt.s32 s26, $0x7F;
	s27 =	sadd.s32 $0xFFFFFFC0, s21  }
0x52: {  	[tilespmem:s19+$0xC30 ss:$0x41] =	vst.msk $0xffff, v59;
	s23 =	smul.u32 $0xF4240, s23;
	s18 =	ssub.s32 $0x80, s21;
	p2 =	sgt.s32 s27, $0x3F  }
.Ltmp4:
0x53: {  	[tilespmem:s19+$0x1040 ss:$0x41] =	vst.msk $0xffff, v60;
	s17 =	simm.s32 @p1 $0x0;
	s18 =	simm.s32 @p2 $0x0;
	(pc) =	sbr.rel .LBB1_5-.Ltmp4, $4  }
0x54: {  	s29 =	sand.u32 $0xF, s28;
	[tilespmem:s19+$0x1450 ss:$0x41] =	vst.msk $0xffff, v61;
	s20 =	ssub.s32 s20, s23;
	s17 =	smul.u32 s18, s17  }
0x55: {  	[tilespmem:s19+$0x1860 ss:$0x41] =	vst.msk $0xffff, v62;
	s21 =	sshll.u32 s30, $0x12;
	s20 =	sshll.u32 s20, $0x4;
	s18 =	sadd.s32 s5, s29  }
0x56: {  	[tilespmem:s19+$0x0 ss:$0x41] =	vst.msk $0xffff, v63;
	s31 =	sor.u32 $0x40, s21;
	s18 =	sadd.s32 s20, s18;
	s17 =	sand.u32 $0x3FFFFFFF, s17  }
0x57: {  	[hbm4b:s18+s31] =	stream.strided.scatter [tilespmem:s16], [sflag:$0x2], s17, s8, s31, $0x18;
	[tilespmem:$0x8100] =	vst v63  }
.LBB1_6:
0x58: {  	_ =	sfence.sel $0x180000  }
0x59: {  	s2 =	simm.s32 $0x1;
	[bflag:$0x0] =	sbarrier.arrive $0xFFFF  }
0x5a: {  	s31 =	simm.s32 $0x2;
	[sflag:s2] =	ssyncpa.u1 $0x1  }
0x5b: {  	[sflag:s31] =	ssyncpa.u1 $0x1  }
0x5c: {  	p0 =	sne.s32 s1, $0x0;
	_ =	strace $0x90000047  }
0x5d: {  	s0 =	sadd.s32 @!p0 $0x100000, s0;
	[bflag:$0x2] =	sbarrier.arrive $0xFFFF  }
0x5e: {  	[sflag:s0] =	ssyncadd.tile.s32 @!p0 $0x1;
	_ =	shalt  }
.Lfunc_end1:
_tile_overlayer_lowered:
.L_overlay_start_2:
0x5f: {  	(tag) =	ssettag $0x2  }
0x60: {  	s0 =	rddreg [dreg:$0x0];
	s2 =	stileid.u32  }
0x61: {  	s1 =	rddreg [dreg:$0x1];
	p0 =	sne.s32 s2, $0x0  }
0x62: {  	s3 =	rddreg [dreg:$0x2];
	[bflag:$0x3] =	sbarrier.arrive $0xFFFF;
	s2 =	simm.s32 @!p0 $0x1C01  }
0x63: {  	[timem:s3], [sflag:s2] =	dma.local @!p0 [hbm:s0], s1  }
0x64: {  	s0 =	simm.s32 @!p0 $0x1  }
0x65: {  	_ =	swait.ge @!p0 [sflag:s0], s1  }
0x66: {  	s1 =	ssub.s32 @!p0 $0x0, s1;
	[sflag:s0] =	ssyncset.done @!p0 $0x0  }
0x67: {  	[sflag:s0] =	ssyncadd.s32 @!p0 s1  }
0x68: {  	[bflag:$0x3] =	sbarrier.arrive $0xFFFF  }
0x69: {  	_ =	shalt  }

</sc_bundles>
